<compile_context>
chip_gen: v7x
topology: tpu7x:2x2x1
jax: 0.10.2.dev20260603
libtpu: 0.0.44.dev20260713+nightly
codegen_flags: <defaults>
</compile_context>

<pallas_src>
import functools

import jax
import jax.numpy as jnp
from jax import lax
from jax.experimental import pallas as pl
from jax.experimental.pallas import tpu as pltpu
from jax.experimental.pallas import tpu_sc as plsc

S, D, H, DH, E, FF, TOPK = 2048, 1024, 16, 64, 8, 4096, 2
COEF = 0.01
BLK = 256
NBLK = 24
SLOTS = NBLK * BLK
FFB = 4
FFD = FF // FFB



def _qkv_body(x_ref, w_ref, b_ref, o_ref):
    o_ref[...] = (
        lax.dot_general(x_ref[...], w_ref[...], (((1,), (1,)), ((), ())),
                        preferred_element_type=jnp.float32)
        + b_ref[...]
    )


def _attn_body(q_ref, k_ref, v_ref, l_ref, o_ref):
    s = lax.dot_general(
        q_ref[0], k_ref[0], (((1,), (1,)), ((), ())),
        preferred_element_type=jnp.float32,
    ) * (1.0 / 8.0)
    m = jnp.max(s, axis=1, keepdims=True)
    p = jnp.exp(s - m)
    p = p * (1.0 / l_ref[0][:, 0:1])
    o_ref[0] = jnp.dot(p, v_ref[0], preferred_element_type=jnp.float32)


def _outproj_body(c_ref, w_ref, b_ref, r_ref, x_ref, lg_ref):
    x = (
        lax.dot_general(c_ref[...], w_ref[...], (((1,), (1,)), ((), ())),
                        preferred_element_type=jnp.float32)
        + b_ref[...]
    )
    x_ref[...] = x
    lg_ref[...] = jnp.dot(x, r_ref[...], preferred_element_type=jnp.float32)



def _routing_body(lg_ref, pos_ref, wts_ref, tok_ref, be_ref, na_ref, aux_ref):
    logits = lg_ref[...]
    m = jnp.max(logits, axis=1, keepdims=True)
    eg = jnp.exp(logits - m)
    gates = eg / jnp.sum(eg, axis=1, keepdims=True)

    eids = lax.broadcasted_iota(jnp.int32, (S, E), 1).astype(jnp.float32)
    v1 = jnp.max(gates, axis=1, keepdims=True)
    i1 = jnp.min(jnp.where(gates == v1, eids, jnp.float32(E)), axis=1,
                 keepdims=True)
    mask1 = (eids == i1).astype(jnp.float32)
    g2 = jnp.where(mask1 > 0, -jnp.inf, gates)
    v2 = jnp.max(g2, axis=1, keepdims=True)
    i2 = jnp.min(jnp.where(g2 == v2, eids, jnp.float32(E)), axis=1,
                 keepdims=True)
    mask2 = (eids == i2).astype(jnp.float32)
    denom = v1 + v2 + 1e-9
    w1 = v1 / denom
    w2 = v2 / denom

    mask12 = mask1 + mask2
    r_i = lax.broadcasted_iota(jnp.int32, (S, S), 0)
    c_i = lax.broadcasted_iota(jnp.int32, (S, S), 1)
    tri = (c_i < r_i).astype(jnp.float32)
    cum = jnp.dot(tri, mask12, preferred_element_type=jnp.float32,
                  precision=lax.Precision.HIGHEST)

    counts = jnp.sum(mask12, axis=0, keepdims=True)
    pc = jnp.ceil(counts / BLK) * BLK
    e_r = lax.broadcasted_iota(jnp.int32, (E, E), 0)
    e_c = lax.broadcasted_iota(jnp.int32, (E, E), 1)
    tri8 = (e_r < e_c).astype(jnp.float32)
    po = jnp.dot(pc, tri8, preferred_element_type=jnp.float32,
                 precision=lax.Precision.HIGHEST)

    slot = po + cum
    pos1 = jnp.sum(mask1 * slot, axis=1, keepdims=True)
    pos2 = jnp.sum(mask2 * slot, axis=1, keepdims=True)
    pos_ref[...] = jnp.concatenate([pos1, pos2], axis=1).astype(jnp.int32)
    wts_ref[...] = jnp.concatenate([w1, w2], axis=1)

    tok_ids = lax.broadcasted_iota(jnp.int32, (S, 1), 0).astype(jnp.float32)
    sb = SLOTS // 12
    for i in range(12):
        svec = lax.broadcasted_iota(jnp.int32, (1, sb), 1).astype(jnp.float32) + (i * sb)
        t = jnp.sum(jnp.where(pos1 == svec, tok_ids, 0.0), axis=0)
        t += jnp.sum(jnp.where(pos2 == svec, tok_ids, 0.0), axis=0)
        tok_ref[i, :] = t.astype(jnp.int32)

    bstart = lax.broadcasted_iota(jnp.int32, (NBLK, 1), 0).astype(jnp.float32) * BLK
    po_b = jnp.broadcast_to(po, (NBLK, E))
    pc_b = jnp.broadcast_to(pc, (NBLK, E))
    ind = ((bstart >= po_b) & (bstart < po_b + pc_b)).astype(jnp.float32)
    eidr = lax.broadcasted_iota(jnp.int32, (NBLK, E), 1).astype(jnp.float32)
    be_ref[...] = jnp.sum(ind * eidr, axis=1, keepdims=True).astype(jnp.int32)
    na_ref[...] = (jnp.sum(pc / BLK, axis=1, keepdims=True)).astype(jnp.int32)

    me = jnp.mean(gates, axis=0, keepdims=True)
    ce = jnp.mean(mask1, axis=0, keepdims=True)
    aux_ref[...] = jnp.sum(me * ce, axis=1, keepdims=True) * (E * COEF)



def _sc_gather(table, idx, rows, chunk):
    info = plsc.get_sparse_core_info()
    nw = info.num_cores * info.num_subcores
    bpw = rows // nw
    nch = bpw // chunk
    mesh = plsc.VectorSubcoreMesh(core_axis_name="c", subcore_axis_name="s")

    @functools.partial(
        pl.kernel, mesh=mesh,
        out_type=jax.ShapeDtypeStruct((rows, D), jnp.float32),
        scratch_types=[
            pltpu.VMEM((chunk,), jnp.int32),
            pltpu.VMEM((chunk, D), jnp.float32),
            pltpu.SemaphoreType.DMA,
        ],
    )
    def k(table_hbm, idx_hbm, out_hbm, idx_v, rows_v, sem):
        wid = lax.axis_index("s") * info.num_cores + lax.axis_index("c")
        base = wid * bpw

        def body(c, carry):
            off = base + c * chunk
            pltpu.sync_copy(idx_hbm.at[pl.ds(off, chunk)], idx_v)
            pltpu.async_copy(table_hbm.at[idx_v], rows_v, sem).wait()
            pltpu.sync_copy(rows_v, out_hbm.at[pl.ds(off, chunk)])
            return carry

        lax.fori_loop(0, nch, body, 0)

    return k(table, idx)


def _gather_rows(table, idx, rows, chunk=64):
    return _sc_gather(table, idx, rows, chunk)



def _ffn_body(be_ref, na_ref, x_ref, w1_ref, b1_ref, w2_ref, b2_ref, y_ref,
              acc_ref):
    b = pl.program_id(0)
    f = pl.program_id(1)

    @pl.when(b < na_ref[0])
    def _():
        h = jnp.dot(x_ref[...], w1_ref[0], preferred_element_type=jnp.float32)
        h = h + b1_ref[0]
        h = 0.5 * h * (1.0 + lax.erf(h * (0.7071067811865476)))
        contrib = jnp.dot(h, w2_ref[0], preferred_element_type=jnp.float32)

        @pl.when(f == 0)
        def _():
            acc_ref[...] = contrib

        @pl.when(f > 0)
        def _():
            acc_ref[...] += contrib

        @pl.when(f == FFB - 1)
        def _():
            y_ref[...] = acc_ref[...] + b2_ref[0]



def _combine_body(y1_ref, y2_ref, w_ref, g1_ref, b1_ref, g2_ref, b2_ref,
                  o_ref):
    y = w_ref[:, 0:1] * y1_ref[...] + w_ref[:, 1:2] * y2_ref[...]
    for g_ref, b_ref in ((g1_ref, b1_ref), (g2_ref, b2_ref)):
        mu = jnp.mean(y, axis=1, keepdims=True)
        var = jnp.mean((y - mu) ** 2, axis=1, keepdims=True)
        y = (y - mu) / jnp.sqrt(var + 1e-5) * g_ref[...] + b_ref[...]
    o_ref[...] = y



def kernel(src, in_proj_w, in_proj_b, out_proj_w, out_proj_b,
           ln1_g, ln1_b, ln2_g, ln2_b, router_w, W1, b1, W2, b2):
    x0 = src.reshape(S, D)

    qkv = pl.pallas_call(
        _qkv_body,
        grid=(8,),
        in_specs=[
            pl.BlockSpec((S // 8, D), lambda r: (r, 0)),
            pl.BlockSpec((3 * D, D), lambda r: (0, 0)),
            pl.BlockSpec((1, 3 * D), lambda r: (0, 0)),
        ],
        out_specs=pl.BlockSpec((S // 8, 3 * D), lambda r: (r, 0)),
        out_shape=jax.ShapeDtypeStruct((S, 3 * D), jnp.float32),
    )(x0, in_proj_w, in_proj_b.reshape(1, 3 * D))

    qkvh = qkv.reshape(S, 3 * H, DH).transpose(1, 0, 2)
    qh, kh = qkvh[:H], qkvh[H:2 * H]
    s_x = jnp.einsum("hsd,htd->hst", qh, kh) * 0.125
    lsum = jnp.sum(jnp.exp(s_x - jnp.max(s_x, -1, keepdims=True)), -1)
    lsum = jnp.broadcast_to(lsum[..., None], (H, S, 128))
    ctxh = pl.pallas_call(
        _attn_body,
        grid=(H, 4),
        in_specs=[
            pl.BlockSpec((1, S // 4, DH), lambda h, r: (h, r, 0)),
            pl.BlockSpec((1, S, DH), lambda h, r: (H + h, 0, 0)),
            pl.BlockSpec((1, S, DH), lambda h, r: (2 * H + h, 0, 0)),
            pl.BlockSpec((1, S // 4, 128), lambda h, r: (h, r, 0)),
        ],
        out_specs=pl.BlockSpec((1, S // 4, DH), lambda h, r: (h, r, 0)),
        out_shape=jax.ShapeDtypeStruct((H, S, DH), jnp.float32),
    )(qkvh, qkvh, qkvh, lsum)
    ctx = ctxh.transpose(1, 0, 2).reshape(S, D)

    x, logits = pl.pallas_call(
        _outproj_body,
        grid=(8,),
        in_specs=[
            pl.BlockSpec((S // 8, D), lambda r: (r, 0)),
            pl.BlockSpec((D, D), lambda r: (0, 0)),
            pl.BlockSpec((1, D), lambda r: (0, 0)),
            pl.BlockSpec((D, E), lambda r: (0, 0)),
        ],
        out_specs=[
            pl.BlockSpec((S // 8, D), lambda r: (r, 0)),
            pl.BlockSpec((S // 8, E), lambda r: (r, 0)),
        ],
        out_shape=[
            jax.ShapeDtypeStruct((S, D), jnp.float32),
            jax.ShapeDtypeStruct((S, E), jnp.float32),
        ],
    )(ctx, out_proj_w, out_proj_b.reshape(1, D), router_w)

    pos, wts, tok_sorted, be, na, aux = pl.pallas_call(
        _routing_body,
        out_shape=[
            jax.ShapeDtypeStruct((S, 2), jnp.int32),
            jax.ShapeDtypeStruct((S, 2), jnp.float32),
            jax.ShapeDtypeStruct((12, SLOTS // 12), jnp.int32),
            jax.ShapeDtypeStruct((NBLK, 1), jnp.int32),
            jax.ShapeDtypeStruct((1, 1), jnp.int32),
            jax.ShapeDtypeStruct((1, 1), jnp.float32),
        ],
    )(logits)

    sorted_x = _gather_rows(x, tok_sorted.reshape(SLOTS), SLOTS)

    grid_spec = pltpu.PrefetchScalarGridSpec(
        num_scalar_prefetch=2,
        grid=(NBLK, FFB),
        in_specs=[
            pl.BlockSpec((BLK, D), lambda b, f, be, na: (b, 0)),
            pl.BlockSpec((1, D, FFD), lambda b, f, be, na: (be[b, 0], 0, f)),
            pl.BlockSpec((1, 1, FFD), lambda b, f, be, na: (be[b, 0], 0, f)),
            pl.BlockSpec((1, FFD, D), lambda b, f, be, na: (be[b, 0], f, 0)),
            pl.BlockSpec((1, 1, D), lambda b, f, be, na: (be[b, 0], 0, 0)),
        ],
        out_specs=pl.BlockSpec((BLK, D), lambda b, f, be, na: (b, 0)),
        scratch_shapes=[pltpu.VMEM((BLK, D), jnp.float32)],
    )
    y_sorted = pl.pallas_call(
        _ffn_body,
        grid_spec=grid_spec,
        out_shape=jax.ShapeDtypeStruct((SLOTS, D), jnp.float32),
    )(be, na.reshape(1), sorted_x, W1, b1.reshape(E, 1, FF),
      W2, b2.reshape(E, 1, D))

    pos_flat = jnp.concatenate([pos[:, 0], pos[:, 1]])
    yg = _gather_rows(y_sorted, pos_flat, 2 * S)

    out = pl.pallas_call(
        _combine_body,
        grid=(8,),
        in_specs=[
            pl.BlockSpec((S // 8, D), lambda r: (r, 0)),
            pl.BlockSpec((S // 8, D), lambda r: (8 + r, 0)),
            pl.BlockSpec((S // 8, 2), lambda r: (r, 0)),
            pl.BlockSpec((1, D), lambda r: (0, 0)),
            pl.BlockSpec((1, D), lambda r: (0, 0)),
            pl.BlockSpec((1, D), lambda r: (0, 0)),
            pl.BlockSpec((1, D), lambda r: (0, 0)),
        ],
        out_specs=pl.BlockSpec((S // 8, D), lambda r: (r, 0)),
        out_shape=jax.ShapeDtypeStruct((S, D), jnp.float32),
    )(yg, yg, wts, ln1_g.reshape(1, D), ln1_b.reshape(1, D),
      ln2_g.reshape(1, D), ln2_b.reshape(1, D))

    return out.reshape(S, 1, D), aux.reshape(())

# --- scband reference (transcript-rebuilt; emitter-appended) ---
"""Pipeline reference for scband-transformer-encoder-layer-88158498718389 (READ-ONLY COPY).

The authoritative reference and input builder live on the scoring server;
editing this copy changes nothing except your own understanding.
"""

import jax, jax.numpy as jnp
import numpy as np

S, B, D, H, E, FF, TOPK = 2048, 1, 1024, 16, 8, 4096, 2
COEF = 0.01


def setup_inputs(seed: int = 0) -> dict:
    key = jax.random.key(seed)
    ks = jax.random.split(key, 8)
    sc = 0.02
    inp = {}
    inp["src"] = jax.random.normal(ks[0], (S, B, D), dtype=jnp.float32)
    inp["in_proj_w"] = jax.random.normal(ks[1], (3 * D, D), dtype=jnp.float32) * sc
    inp["in_proj_b"] = jnp.zeros((3 * D,), dtype=jnp.float32)
    inp["out_proj_w"] = jax.random.normal(ks[2], (D, D), dtype=jnp.float32) * sc
    inp["out_proj_b"] = jnp.zeros((D,), dtype=jnp.float32)
    inp["ln1_g"] = jnp.ones((D,), dtype=jnp.float32)
    inp["ln1_b"] = jnp.zeros((D,), dtype=jnp.float32)
    inp["ln2_g"] = jnp.ones((D,), dtype=jnp.float32)
    inp["ln2_b"] = jnp.zeros((D,), dtype=jnp.float32)
    inp["router_w"] = jax.random.normal(ks[3], (D, E), dtype=jnp.float32) * sc
    inp["W1"] = jax.random.normal(ks[4], (E, D, FF), dtype=jnp.float32) * sc
    inp["b1"] = jnp.zeros((E, FF), dtype=jnp.float32)
    inp["W2"] = jax.random.normal(ks[5], (E, FF, D), dtype=jnp.float32) * sc
    inp["b2"] = jnp.zeros((E, D), dtype=jnp.float32)
    return inp


def _layer_norm(x, g, b, eps=1e-5):
    mu = jnp.mean(x, axis=-1, keepdims=True)
    var = jnp.var(x, axis=-1, keepdims=True)
    return (x - mu) / jnp.sqrt(var + eps) * g + b


def _mha(x, in_proj_w, in_proj_b, out_proj_w, out_proj_b):
    s, b, d = x.shape
    dh = d // H
    qkv = x @ in_proj_w.T + in_proj_b  # [S,B,3D]
    q, k, v = jnp.split(qkv, 3, axis=-1)

    def to_heads(t):
        return t.reshape(s, b, H, dh).transpose(1, 2, 0, 3)  # [B,H,S,dh]

    q, k, v = to_heads(q), to_heads(k), to_heads(v)
    attn = jax.nn.softmax(q @ k.swapaxes(-1, -2) / jnp.sqrt(dh), axis=-1)
    ctx = attn @ v  # [B,H,S,dh]
    ctx = ctx.transpose(2, 0, 1, 3).reshape(s, b, d)
    return ctx @ out_proj_w.T + out_proj_b


def _moe(x, router_w, W1, b1, W2, b2):
    s, b, d = x.shape
    flat = x.reshape(-1, d)  # [N,D]
    n = flat.shape[0]
    logits = flat @ router_w  # [N,E]
    gates = jax.nn.softmax(logits, axis=-1)
    topv, topi = jax.lax.top_k(gates, TOPK)  # [N,TOPK]
    w = topv / (jnp.sum(topv, axis=-1, keepdims=True) + 1e-9)
    combine = jnp.zeros_like(gates).at[jnp.arange(n)[:, None], topi].add(w)  # [N,E]
    h = jax.nn.gelu(jnp.einsum('nd,edf->enf', flat, W1) + b1[:, None, :], approximate=False)
    y = jnp.einsum('enf,efd->end', h, W2) + b2[:, None, :]  # [E,N,D]
    out = jnp.einsum('end,en->nd', y, combine.T)
    # load-balancing aux loss
    me = jnp.mean(gates, axis=0)  # [E]
    disp = jax.nn.one_hot(topi[:, 0], E, dtype=jnp.float32)
    ce = jnp.mean(disp, axis=0)  # [E]
    aux = E * jnp.sum(me * ce) * COEF
    return out.reshape(s, b, d), aux


def reference(src, in_proj_w, in_proj_b, out_proj_w, out_proj_b,
              ln1_g, ln1_b, ln2_g, ln2_b, router_w, W1, b1, W2, b2):
    # norm_first=False path of the (residual-free) original module:
    # x = sa_block(x); x = ff_block(x); x = norm1(x); x = norm2(x)
    x = _mha(src, in_proj_w, in_proj_b, out_proj_w, out_proj_b)  # dropout1 = identity (p=0)
    sa_aux = jnp.asarray(0.0, dtype=jnp.float32)
    x, ff_aux = _moe(x, router_w, W1, b1, W2, b2)  # dropout2 = identity (p=0)
    x = _layer_norm(x, ln1_g, ln1_b)
    x = _layer_norm(x, ln2_g, ln2_b)
    return (x, sa_aux + ff_aux)

if __name__ == "__main__":
    import jax
    _d = setup_inputs()
    print(jax.jit(kernel)(*tuple(_d.values())))

</pallas_src>

<mosaic_0001>
#map = affine_map<(d0, d1) -> (0, 0)>
#map1 = affine_map<(d0, d1) -> (0)>
module attributes {stable_mosaic.version = 14 : i64} {
  func.func @k(%arg0: i32, %arg1: i32, %arg2: memref<6144x1024xf32, #tpu.memory_space<hbm>>, %arg3: memref<4096xi32, #tpu.memory_space<hbm>>, %arg4: memref<4096x1024xf32, #tpu.memory_space<hbm>>, %arg5: memref<64xi32, #tpu.memory_space<vmem>>, %arg6: memref<64x1024xf32, #tpu.memory_space<vmem>>, %arg7: memref<!tpu.dma_semaphore, #tpu.memory_space<semaphore_mem>>) attributes {dimension_semantics = [#tpu.dimension_semantics<core_parallel>, #tpu.dimension_semantics<subcore_parallel>], iteration_bounds = array<i64: 2, 16>, scalar_prefetch = 0 : i64, scratch_operands = 3 : i64, tpu.core_type = #tpu.core_type<sc_vector_subcore>, window_params = [{transform_indices = #map}, {transform_indices = #map1}, {transform_indices = #map}]} {
    %mul3A = arith.constant 2 : i32
    %mul3A_0 = arith.muli %arg1, %mul3A : i32
    %add3A = arith.addi %mul3A_0, %arg0 : i32
    %mul3A_1 = arith.constant 128 : i32
    %mul3A_2 = arith.muli %add3A, %mul3A_1 : i32
    %scan3A = arith.constant 0 : i32
    %scan3A_3 = arith.constant 0 : i32
    %scan3A_4 = arith.constant 2 : i32
    %scan3A_5 = arith.addi %scan3A_3, %scan3A_4 : i32
    %scan3A_6 = arith.constant 1 : i32
    scf.for %scan3A_8 = %scan3A_3 to %scan3A_5 step %scan3A_6  : i32 {
      %mul3A_9 = arith.constant 64 : i32
      %mul3A_10 = arith.muli %scan3A_8, %mul3A_9 : i32
      %add3A_11 = arith.addi %mul3A_2, %mul3A_10 : i32
      "tpu.region"() ({
        %run_scoped3A = tpu.sem_alloc : memref<!tpu.dma_semaphore, #tpu.memory_space<semaphore_mem>>
        %dma_start3A_16 = tpu.memref_slice %arg3[%add3A_11] : memref<4096xi32, #tpu.memory_space<hbm>> -> memref<64xi32, #tpu.memory_space<hbm>>
        %dma_start3A_17 = tpu.memref_slice %arg3[%add3A_11] : memref<4096xi32, #tpu.memory_space<hbm>> -> memref<64xi32, #tpu.memory_space<hbm>>
        tpu.enqueue_dma source(%dma_start3A_17 : memref<64xi32, #tpu.memory_space<hbm>>) target(%arg5 : memref<64xi32, #tpu.memory_space<vmem>>) target_semaphore(%run_scoped3A : memref<!tpu.dma_semaphore, #tpu.memory_space<semaphore_mem>>)
        %dma_wait3A_18 = tpu.memref_slice %arg3[%add3A_11] : memref<4096xi32, #tpu.memory_space<hbm>> -> memref<64xi32, #tpu.memory_space<hbm>>
        %dma_wait3A_19 = tpu.memref_slice %arg3[%add3A_11] : memref<4096xi32, #tpu.memory_space<hbm>> -> memref<64xi32, #tpu.memory_space<hbm>>
        tpu.wait_dma2 semaphore(%run_scoped3A : memref<!tpu.dma_semaphore, #tpu.memory_space<semaphore_mem>>) src(%dma_wait3A_19 : memref<64xi32, #tpu.memory_space<hbm>>) dst(%arg5 : memref<64xi32, #tpu.memory_space<vmem>>)
        tpu.yield
      }) : () -> ()
      %dma_start3A = arith.constant 0 : i32
      %dma_start3A_12 = arith.constant 0 : i32
      %dma_start3A_13 = tpu.memref_slice %arg2[%dma_start3A, %dma_start3A_12] : memref<6144x1024xf32, #tpu.memory_space<hbm>> -> memref<6144x1024xf32, #tpu.memory_space<hbm>>
      tpu.enqueue_indirect_dma source(%dma_start3A_13 : memref<6144x1024xf32, #tpu.memory_space<hbm>>) target(%arg6 : memref<64x1024xf32, #tpu.memory_space<vmem>>) offsets(%arg5 : memref<64xi32, #tpu.memory_space<vmem>>) semaphore(%arg7 : memref<!tpu.dma_semaphore, #tpu.memory_space<semaphore_mem>>)
      %dma_wait3A = arith.constant 0 : i32
      %dma_wait3A_14 = arith.constant 0 : i32
      %dma_wait3A_15 = tpu.memref_slice %arg2[%dma_wait3A, %dma_wait3A_14] : memref<6144x1024xf32, #tpu.memory_space<hbm>> -> memref<6144x1024xf32, #tpu.memory_space<hbm>>
      tpu.wait_indirect_dma semaphore(%arg7 : memref<!tpu.dma_semaphore, #tpu.memory_space<semaphore_mem>>) src(%dma_wait3A_15 : memref<6144x1024xf32, #tpu.memory_space<hbm>>) dst(%arg6 : memref<64x1024xf32, #tpu.memory_space<vmem>>)
      "tpu.region"() ({
        %run_scoped3A = tpu.sem_alloc : memref<!tpu.dma_semaphore, #tpu.memory_space<semaphore_mem>>
        %dma_start3A_16 = arith.constant 0 : i32
        %dma_start3A_17 = tpu.memref_slice %arg4[%add3A_11, %dma_start3A_16] : memref<4096x1024xf32, #tpu.memory_space<hbm>> -> memref<64x1024xf32, #tpu.memory_space<hbm>>
        %dma_start3A_18 = arith.constant 0 : i32
        %dma_start3A_19 = tpu.memref_slice %arg4[%add3A_11, %dma_start3A_18] : memref<4096x1024xf32, #tpu.memory_space<hbm>> -> memref<64x1024xf32, #tpu.memory_space<hbm>>
        tpu.enqueue_dma source(%arg6 : memref<64x1024xf32, #tpu.memory_space<vmem>>) target(%dma_start3A_19 : memref<64x1024xf32, #tpu.memory_space<hbm>>) target_semaphore(%run_scoped3A : memref<!tpu.dma_semaphore, #tpu.memory_space<semaphore_mem>>)
        %dma_wait3A_20 = arith.constant 0 : i32
        %dma_wait3A_21 = tpu.memref_slice %arg4[%add3A_11, %dma_wait3A_20] : memref<4096x1024xf32, #tpu.memory_space<hbm>> -> memref<64x1024xf32, #tpu.memory_space<hbm>>
        %dma_wait3A_22 = arith.constant 0 : i32
        %dma_wait3A_23 = tpu.memref_slice %arg4[%add3A_11, %dma_wait3A_22] : memref<4096x1024xf32, #tpu.memory_space<hbm>> -> memref<64x1024xf32, #tpu.memory_space<hbm>>
        tpu.wait_dma2 semaphore(%run_scoped3A : memref<!tpu.dma_semaphore, #tpu.memory_space<semaphore_mem>>) src(%arg6 : memref<64x1024xf32, #tpu.memory_space<vmem>>) dst(%dma_wait3A_23 : memref<64x1024xf32, #tpu.memory_space<hbm>>)
        tpu.yield
      }) : () -> ()
    }
    %scan3A_7 = arith.constant 2 : i32
    return
  }
}

#map = affine_map<(d0, d1) -> (0, 0)>
#map1 = affine_map<(d0, d1) -> (0)>
module attributes {stable_mosaic.version = 14 : i64} {
  func.func @k(%arg0: i32, %arg1: i32, %arg2: memref<2048x1024xf32, #tpu.memory_space<hbm>>, %arg3: memref<6144xi32, #tpu.memory_space<hbm>>, %arg4: memref<6144x1024xf32, #tpu.memory_space<hbm>>, %arg5: memref<64xi32, #tpu.memory_space<vmem>>, %arg6: memref<64x1024xf32, #tpu.memory_space<vmem>>, %arg7: memref<!tpu.dma_semaphore, #tpu.memory_space<semaphore_mem>>) attributes {dimension_semantics = [#tpu.dimension_semantics<core_parallel>, #tpu.dimension_semantics<subcore_parallel>], iteration_bounds = array<i64: 2, 16>, scalar_prefetch = 0 : i64, scratch_operands = 3 : i64, tpu.core_type = #tpu.core_type<sc_vector_subcore>, window_params = [{transform_indices = #map}, {transform_indices = #map1}, {transform_indices = #map}]} {
    %mul3A = arith.constant 2 : i32
    %mul3A_0 = arith.muli %arg1, %mul3A : i32
    %add3A = arith.addi %mul3A_0, %arg0 : i32
    %mul3A_1 = arith.constant 192 : i32
    %mul3A_2 = arith.muli %add3A, %mul3A_1 : i32
    %scan3A = arith.constant 0 : i32
    %scan3A_3 = arith.constant 0 : i32
    %scan3A_4 = arith.constant 3 : i32
    %scan3A_5 = arith.addi %scan3A_3, %scan3A_4 : i32
    %scan3A_6 = arith.constant 1 : i32
    scf.for %scan3A_8 = %scan3A_3 to %scan3A_5 step %scan3A_6  : i32 {
      %mul3A_9 = arith.constant 64 : i32
      %mul3A_10 = arith.muli %scan3A_8, %mul3A_9 : i32
      %add3A_11 = arith.addi %mul3A_2, %mul3A_10 : i32
      "tpu.region"() ({
        %run_scoped3A = tpu.sem_alloc : memref<!tpu.dma_semaphore, #tpu.memory_space<semaphore_mem>>
        %dma_start3A_16 = tpu.memref_slice %arg3[%add3A_11] : memref<6144xi32, #tpu.memory_space<hbm>> -> memref<64xi32, #tpu.memory_space<hbm>>
        %dma_start3A_17 = tpu.memref_slice %arg3[%add3A_11] : memref<6144xi32, #tpu.memory_space<hbm>> -> memref<64xi32, #tpu.memory_space<hbm>>
        tpu.enqueue_dma source(%dma_start3A_17 : memref<64xi32, #tpu.memory_space<hbm>>) target(%arg5 : memref<64xi32, #tpu.memory_space<vmem>>) target_semaphore(%run_scoped3A : memref<!tpu.dma_semaphore, #tpu.memory_space<semaphore_mem>>)
        %dma_wait3A_18 = tpu.memref_slice %arg3[%add3A_11] : memref<6144xi32, #tpu.memory_space<hbm>> -> memref<64xi32, #tpu.memory_space<hbm>>
        %dma_wait3A_19 = tpu.memref_slice %arg3[%add3A_11] : memref<6144xi32, #tpu.memory_space<hbm>> -> memref<64xi32, #tpu.memory_space<hbm>>
        tpu.wait_dma2 semaphore(%run_scoped3A : memref<!tpu.dma_semaphore, #tpu.memory_space<semaphore_mem>>) src(%dma_wait3A_19 : memref<64xi32, #tpu.memory_space<hbm>>) dst(%arg5 : memref<64xi32, #tpu.memory_space<vmem>>)
        tpu.yield
      }) : () -> ()
      %dma_start3A = arith.constant 0 : i32
      %dma_start3A_12 = arith.constant 0 : i32
      %dma_start3A_13 = tpu.memref_slice %arg2[%dma_start3A, %dma_start3A_12] : memref<2048x1024xf32, #tpu.memory_space<hbm>> -> memref<2048x1024xf32, #tpu.memory_space<hbm>>
      tpu.enqueue_indirect_dma source(%dma_start3A_13 : memref<2048x1024xf32, #tpu.memory_space<hbm>>) target(%arg6 : memref<64x1024xf32, #tpu.memory_space<vmem>>) offsets(%arg5 : memref<64xi32, #tpu.memory_space<vmem>>) semaphore(%arg7 : memref<!tpu.dma_semaphore, #tpu.memory_space<semaphore_mem>>)
      %dma_wait3A = arith.constant 0 : i32
      %dma_wait3A_14 = arith.constant 0 : i32
      %dma_wait3A_15 = tpu.memref_slice %arg2[%dma_wait3A, %dma_wait3A_14] : memref<2048x1024xf32, #tpu.memory_space<hbm>> -> memref<2048x1024xf32, #tpu.memory_space<hbm>>
      tpu.wait_indirect_dma semaphore(%arg7 : memref<!tpu.dma_semaphore, #tpu.memory_space<semaphore_mem>>) src(%dma_wait3A_15 : memref<2048x1024xf32, #tpu.memory_space<hbm>>) dst(%arg6 : memref<64x1024xf32, #tpu.memory_space<vmem>>)
      "tpu.region"() ({
        %run_scoped3A = tpu.sem_alloc : memref<!tpu.dma_semaphore, #tpu.memory_space<semaphore_mem>>
        %dma_start3A_16 = arith.constant 0 : i32
        %dma_start3A_17 = tpu.memref_slice %arg4[%add3A_11, %dma_start3A_16] : memref<6144x1024xf32, #tpu.memory_space<hbm>> -> memref<64x1024xf32, #tpu.memory_space<hbm>>
        %dma_start3A_18 = arith.constant 0 : i32
        %dma_start3A_19 = tpu.memref_slice %arg4[%add3A_11, %dma_start3A_18] : memref<6144x1024xf32, #tpu.memory_space<hbm>> -> memref<64x1024xf32, #tpu.memory_space<hbm>>
        tpu.enqueue_dma source(%arg6 : memref<64x1024xf32, #tpu.memory_space<vmem>>) target(%dma_start3A_19 : memref<64x1024xf32, #tpu.memory_space<hbm>>) target_semaphore(%run_scoped3A : memref<!tpu.dma_semaphore, #tpu.memory_space<semaphore_mem>>)
        %dma_wait3A_20 = arith.constant 0 : i32
        %dma_wait3A_21 = tpu.memref_slice %arg4[%add3A_11, %dma_wait3A_20] : memref<6144x1024xf32, #tpu.memory_space<hbm>> -> memref<64x1024xf32, #tpu.memory_space<hbm>>
        %dma_wait3A_22 = arith.constant 0 : i32
        %dma_wait3A_23 = tpu.memref_slice %arg4[%add3A_11, %dma_wait3A_22] : memref<6144x1024xf32, #tpu.memory_space<hbm>> -> memref<64x1024xf32, #tpu.memory_space<hbm>>
        tpu.wait_dma2 semaphore(%run_scoped3A : memref<!tpu.dma_semaphore, #tpu.memory_space<semaphore_mem>>) src(%arg6 : memref<64x1024xf32, #tpu.memory_space<vmem>>) dst(%dma_wait3A_23 : memref<64x1024xf32, #tpu.memory_space<hbm>>)
        tpu.yield
      }) : () -> ()
    }
    %scan3A_7 = arith.constant 3 : i32
    return
  }
}

module attributes {stable_mosaic.version = 14 : i64} {
  func.func @_qkv_body(%arg0: i32, %arg1: memref<256x1024xf32, #tpu.memory_space<vmem>>, %arg2: memref<3072x1024xf32, #tpu.memory_space<vmem>>, %arg3: memref<1x3072xf32, #tpu.memory_space<vmem>>, %arg4: memref<256x3072xf32, #tpu.memory_space<vmem>>) attributes {dimension_semantics = [#tpu.dimension_semantics<arbitrary>], iteration_bounds = array<i64: 8>, scalar_prefetch = 0 : i64, scratch_operands = 0 : i64, tpu.core_type = #tpu.core_type<tc>, window_params = [{transform_indices = @transform_0, window_bounds = array<i64: 256, 1024>}, {pipeline_mode = #tpu.pipeline_mode<synchronous>, transform_indices = @transform_1, window_bounds = array<i64: 3072, 1024>}, {pipeline_mode = #tpu.pipeline_mode<synchronous>, transform_indices = @transform_2, window_bounds = array<i64: 1, 3072>}, {transform_indices = @transform_3, window_bounds = array<i64: 256, 3072>}]} {
    %get3A = arith.constant 0 : index
    %get3A_0 = arith.constant 0 : index
    %get3A_1 = vector.load %arg1[%get3A, %get3A_0] : memref<256x1024xf32, #tpu.memory_space<vmem>>, vector<256x1024xf32>
    %get3A_2 = arith.constant 0 : index
    %get3A_3 = arith.constant 0 : index
    %get3A_4 = vector.load %arg2[%get3A_2, %get3A_3] : memref<3072x1024xf32, #tpu.memory_space<vmem>>, vector<3072x1024xf32>
    %dot_general3A = arith.constant dense<0.000000e+00> : vector<256x3072xf32>
    %dot_general3A_5 = tpu.matmul %get3A_1, %get3A_4, %dot_general3A {dimension_numbers = #tpu.dot_dimension_numbers<[1], [1], [0], [0], [0, 0, 1, 0], [], []>, transpose_lhs_hint = false} : vector<256x1024xf32>, vector<3072x1024xf32>, vector<256x3072xf32> -> vector<256x3072xf32>
    %get3A_6 = arith.constant 0 : index
    %get3A_7 = arith.constant 0 : index
    %get3A_8 = vector.load %arg3[%get3A_6, %get3A_7] : memref<1x3072xf32, #tpu.memory_space<vmem>>, vector<1x3072xf32>
    %add3A = vector.broadcast %get3A_8 : vector<1x3072xf32> to vector<256x3072xf32>
    %add3A_9 = arith.addf %dot_general3A_5, %add3A : vector<256x3072xf32>
    %swap3A = arith.constant 0 : index
    %swap3A_10 = arith.constant 0 : index
    %swap3A_11 = vector.load %arg4[%swap3A, %swap3A_10] : memref<256x3072xf32, #tpu.memory_space<vmem>>, vector<256x3072xf32>
    tpu.vector_store %arg4[%swap3A, %swap3A_10], %add3A_9 {strides = array<i32>} : memref<256x3072xf32, #tpu.memory_space<vmem>>, vector<256x3072xf32>,
    return
  }
  func.func @transform_0(%arg0: i32) -> (i32, i32) {
    %c0_i32 = arith.constant 0 : i32
    %c0_i32_0 = arith.constant 0 : i32
    return %arg0, %c0_i32 : i32, i32
  }
  func.func @transform_1(%arg0: i32) -> (i32, i32) {
    %c0_i32 = arith.constant 0 : i32
    %c0_i32_0 = arith.constant 0 : i32
    %c0_i32_1 = arith.constant 0 : i32
    return %c0_i32, %c0_i32_0 : i32, i32
  }
  func.func @transform_2(%arg0: i32) -> (i32, i32) {
    %c0_i32 = arith.constant 0 : i32
    %c0_i32_0 = arith.constant 0 : i32
    %c0_i32_1 = arith.constant 0 : i32
    return %c0_i32, %c0_i32_0 : i32, i32
  }
  func.func @transform_3(%arg0: i32) -> (i32, i32) {
    %c0_i32 = arith.constant 0 : i32
    %c0_i32_0 = arith.constant 0 : i32
    return %arg0, %c0_i32 : i32, i32
  }
}

module attributes {stable_mosaic.version = 14 : i64} {
  func.func @_attn_body(%arg0: i32, %arg1: i32, %arg2: memref<1x512x64xf32, #tpu.memory_space<vmem>>, %arg3: memref<1x2048x64xf32, #tpu.memory_space<vmem>>, %arg4: memref<1x2048x64xf32, #tpu.memory_space<vmem>>, %arg5: memref<1x512x128xf32, #tpu.memory_space<vmem>>, %arg6: memref<1x512x64xf32, #tpu.memory_space<vmem>>) attributes {dimension_semantics = [#tpu.dimension_semantics<arbitrary>, #tpu.dimension_semantics<arbitrary>], iteration_bounds = array<i64: 16, 4>, scalar_prefetch = 0 : i64, scratch_operands = 0 : i64, tpu.core_type = #tpu.core_type<tc>, window_params = [{transform_indices = @transform_0, window_bounds = array<i64: 1, 512, 64>}, {transform_indices = @transform_1, window_bounds = array<i64: 1, 2048, 64>}, {transform_indices = @transform_2, window_bounds = array<i64: 1, 2048, 64>}, {transform_indices = @transform_3, window_bounds = array<i64: 1, 512, 128>}, {transform_indices = @transform_4, window_bounds = array<i64: 1, 512, 64>}]} {
    %get3A = arith.constant 0 : index
    %get3A_0 = arith.constant 0 : index
    %get3A_1 = arith.constant 0 : index
    %get3A_2 = vector.load %arg2[%get3A, %get3A_0, %get3A_1] : memref<1x512x64xf32, #tpu.memory_space<vmem>>, vector<1x512x64xf32>
    %get3A_3 = vector.shape_cast %get3A_2 : vector<1x512x64xf32> to vector<512x64xf32>
    %get3A_4 = arith.constant 0 : index
    %get3A_5 = arith.constant 0 : index
    %get3A_6 = arith.constant 0 : index
    %get3A_7 = vector.load %arg3[%get3A_4, %get3A_5, %get3A_6] : memref<1x2048x64xf32, #tpu.memory_space<vmem>>, vector<1x2048x64xf32>
    %get3A_8 = vector.shape_cast %get3A_7 : vector<1x2048x64xf32> to vector<2048x64xf32>
    %dot_general3A = arith.constant dense<0.000000e+00> : vector<512x2048xf32>
    %dot_general3A_9 = tpu.matmul %get3A_3, %get3A_8, %dot_general3A {dimension_numbers = #tpu.dot_dimension_numbers<[1], [1], [0], [0], [0, 0, 1, 0], [], []>, transpose_lhs_hint = false} : vector<512x64xf32>, vector<2048x64xf32>, vector<512x2048xf32> -> vector<512x2048xf32>
    %mul3A = arith.constant 1.250000e-01 : f32
    %mul3A_10 = vector.broadcast %mul3A : f32 to vector<512x2048xf32>
    %mul3A_11 = arith.mulf %dot_general3A_9, %mul3A_10 : vector<512x2048xf32>
    %reduce_max3A = arith.constant dense<0xFF800000> : vector<512xf32>
    %reduce_max3A_12 = vector.multi_reduction <maximumf>, %mul3A_11, %reduce_max3A [1] : vector<512x2048xf32> to vector<512xf32>
    %broadcast_in_dim3A = vector.shape_cast %reduce_max3A_12 : vector<512xf32> to vector<512x1xf32>
    %sub3A = vector.broadcast %broadcast_in_dim3A : vector<512x1xf32> to vector<512x2048xf32>
    %sub3A_13 = arith.subf %mul3A_11, %sub3A : vector<512x2048xf32>
    %exp3A = math.exp %sub3A_13 : vector<512x2048xf32>
    %get3A_14 = arith.constant 0 : index
    %get3A_15 = arith.constant 0 : index
    %get3A_16 = arith.constant 0 : index
    %get3A_17 = vector.load %arg5[%get3A_14, %get3A_15, %get3A_16] : memref<1x512x128xf32, #tpu.memory_space<vmem>>, vector<1x512x128xf32>
    %get3A_18 = vector.shape_cast %get3A_17 : vector<1x512x128xf32> to vector<512x128xf32>
    %slice3A = vector.extract_strided_slice %get3A_18 {offsets = [0, 0], sizes = [512, 1], strides = [1, 1]} : vector<512x128xf32> to vector<512x1xf32>
    %div3A = arith.constant 1.000000e+00 : f32
    %div3A_19 = vector.broadcast %div3A : f32 to vector<512x1xf32>
    %div3A_20 = arith.divf %div3A_19, %slice3A : vector<512x1xf32>
    %mul3A_21 = vector.broadcast %div3A_20 : vector<512x1xf32> to vector<512x2048xf32>
    %mul3A_22 = arith.mulf %exp3A, %mul3A_21 : vector<512x2048xf32>
    %get3A_23 = arith.constant 0 : index
    %get3A_24 = arith.constant 0 : index
    %get3A_25 = arith.constant 0 : index
    %get3A_26 = vector.load %arg4[%get3A_23, %get3A_24, %get3A_25] : memref<1x2048x64xf32, #tpu.memory_space<vmem>>, vector<1x2048x64xf32>
    %get3A_27 = vector.shape_cast %get3A_26 : vector<1x2048x64xf32> to vector<2048x64xf32>
    %dot_general3A_28 = arith.constant dense<0.000000e+00> : vector<512x64xf32>
    %dot_general3A_29 = tpu.matmul %mul3A_22, %get3A_27, %dot_general3A_28 {dimension_numbers = #tpu.dot_dimension_numbers<[1], [0], [0], [1], [0, 0, 1, 1], [], []>, transpose_lhs_hint = false} : vector<512x2048xf32>, vector<2048x64xf32>, vector<512x64xf32> -> vector<512x64xf32>
    %swap3A = arith.constant 0 : index
    %swap3A_30 = arith.constant 0 : index
    %swap3A_31 = arith.constant 0 : index
    %swap3A_32 = vector.load %arg6[%swap3A, %swap3A_30, %swap3A_31] : memref<1x512x64xf32, #tpu.memory_space<vmem>>, vector<1x512x64xf32>
    %swap3A_33 = vector.shape_cast %swap3A_32 : vector<1x512x64xf32> to vector<512x64xf32>
    %swap3A_34 = vector.shape_cast %dot_general3A_29 : vector<512x64xf32> to vector<1x512x64xf32>
    tpu.vector_store %arg6[%swap3A, %swap3A_30, %swap3A_31], %swap3A_34 {strides = array<i32>} : memref<1x512x64xf32, #tpu.memory_space<vmem>>, vector<1x512x64xf32>,
    return
  }
  func.func @transform_0(%arg0: i32, %arg1: i32) -> (i32, i32, i32) {
    %c0_i32 = arith.constant 0 : i32
    %c0_i32_0 = arith.constant 0 : i32
    return %arg0, %arg1, %c0_i32 : i32, i32, i32
  }
  func.func @transform_1(%arg0: i32, %arg1: i32) -> (i32, i32, i32) {
    %add3A = arith.constant 16 : i32
    %add3A_0 = arith.addi %add3A, %arg0 : i32
    %c0_i32 = arith.constant 0 : i32
    %c0_i32_1 = arith.constant 0 : i32
    %c0_i32_2 = arith.constant 0 : i32
    return %add3A_0, %c0_i32, %c0_i32_1 : i32, i32, i32
  }
  func.func @transform_2(%arg0: i32, %arg1: i32) -> (i32, i32, i32) {
    %add3A = arith.constant 32 : i32
    %add3A_0 = arith.addi %add3A, %arg0 : i32
    %c0_i32 = arith.constant 0 : i32
    %c0_i32_1 = arith.constant 0 : i32
    %c0_i32_2 = arith.constant 0 : i32
    return %add3A_0, %c0_i32, %c0_i32_1 : i32, i32, i32
  }
  func.func @transform_3(%arg0: i32, %arg1: i32) -> (i32, i32, i32) {
    %c0_i32 = arith.constant 0 : i32
    %c0_i32_0 = arith.constant 0 : i32
    return %arg0, %arg1, %c0_i32 : i32, i32, i32
  }
  func.func @transform_4(%arg0: i32, %arg1: i32) -> (i32, i32, i32) {
    %c0_i32 = arith.constant 0 : i32
    %c0_i32_0 = arith.constant 0 : i32
    return %arg0, %arg1, %c0_i32 : i32, i32, i32
  }
}

module attributes {stable_mosaic.version = 14 : i64} {
  func.func @_outproj_body(%arg0: i32, %arg1: memref<256x1024xf32, #tpu.memory_space<vmem>>, %arg2: memref<1024x1024xf32, #tpu.memory_space<vmem>>, %arg3: memref<1x1024xf32, #tpu.memory_space<vmem>>, %arg4: memref<1024x8xf32, #tpu.memory_space<vmem>>, %arg5: memref<256x1024xf32, #tpu.memory_space<vmem>>, %arg6: memref<256x8xf32, #tpu.memory_space<vmem>>) attributes {dimension_semantics = [#tpu.dimension_semantics<arbitrary>], iteration_bounds = array<i64: 8>, scalar_prefetch = 0 : i64, scratch_operands = 0 : i64, tpu.core_type = #tpu.core_type<tc>, window_params = [{transform_indices = @transform_0, window_bounds = array<i64: 256, 1024>}, {pipeline_mode = #tpu.pipeline_mode<synchronous>, transform_indices = @transform_1, window_bounds = array<i64: 1024, 1024>}, {pipeline_mode = #tpu.pipeline_mode<synchronous>, transform_indices = @transform_2, window_bounds = array<i64: 1, 1024>}, {pipeline_mode = #tpu.pipeline_mode<synchronous>, transform_indices = @transform_3, window_bounds = array<i64: 1024, 8>}, {transform_indices = @transform_4, window_bounds = array<i64: 256, 1024>}, {transform_indices = @transform_5, window_bounds = array<i64: 256, 8>}]} {
    %get3A = arith.constant 0 : index
    %get3A_0 = arith.constant 0 : index
    %get3A_1 = vector.load %arg1[%get3A, %get3A_0] : memref<256x1024xf32, #tpu.memory_space<vmem>>, vector<256x1024xf32>
    %get3A_2 = arith.constant 0 : index
    %get3A_3 = arith.constant 0 : index
    %get3A_4 = vector.load %arg2[%get3A_2, %get3A_3] : memref<1024x1024xf32, #tpu.memory_space<vmem>>, vector<1024x1024xf32>
    %dot_general3A = arith.constant dense<0.000000e+00> : vector<256x1024xf32>
    %dot_general3A_5 = tpu.matmul %get3A_1, %get3A_4, %dot_general3A {dimension_numbers = #tpu.dot_dimension_numbers<[1], [1], [0], [0], [0, 0, 1, 0], [], []>, transpose_lhs_hint = false} : vector<256x1024xf32>, vector<1024x1024xf32>, vector<256x1024xf32> -> vector<256x1024xf32>
    %get3A_6 = arith.constant 0 : index
    %get3A_7 = arith.constant 0 : index
    %get3A_8 = vector.load %arg3[%get3A_6, %get3A_7] : memref<1x1024xf32, #tpu.memory_space<vmem>>, vector<1x1024xf32>
    %add3A = vector.broadcast %get3A_8 : vector<1x1024xf32> to vector<256x1024xf32>
    %add3A_9 = arith.addf %dot_general3A_5, %add3A : vector<256x1024xf32>
    %swap3A = arith.constant 0 : index
    %swap3A_10 = arith.constant 0 : index
    %swap3A_11 = vector.load %arg5[%swap3A, %swap3A_10] : memref<256x1024xf32, #tpu.memory_space<vmem>>, vector<256x1024xf32>
    tpu.vector_store %arg5[%swap3A, %swap3A_10], %add3A_9 {strides = array<i32>} : memref<256x1024xf32, #tpu.memory_space<vmem>>, vector<256x1024xf32>,
    %get3A_12 = arith.constant 0 : index
    %get3A_13 = arith.constant 0 : index
    %get3A_14 = vector.load %arg4[%get3A_12, %get3A_13] : memref<1024x8xf32, #tpu.memory_space<vmem>>, vector<1024x8xf32>
    %dot_general3A_15 = arith.constant dense<0.000000e+00> : vector<256x8xf32>
    %dot_general3A_16 = tpu.matmul %add3A_9, %get3A_14, %dot_general3A_15 {dimension_numbers = #tpu.dot_dimension_numbers<[1], [0], [0], [1], [0, 0, 1, 1], [], []>, transpose_lhs_hint = false} : vector<256x1024xf32>, vector<1024x8xf32>, vector<256x8xf32> -> vector<256x8xf32>
    %swap3A_17 = arith.constant 0 : index
    %swap3A_18 = arith.constant 0 : index
    %swap3A_19 = vector.load %arg6[%swap3A_17, %swap3A_18] : memref<256x8xf32, #tpu.memory_space<vmem>>, vector<256x8xf32>
    tpu.vector_store %arg6[%swap3A_17, %swap3A_18], %dot_general3A_16 {strides = array<i32>} : memref<256x8xf32, #tpu.memory_space<vmem>>, vector<256x8xf32>,
    return
  }
  func.func @transform_0(%arg0: i32) -> (i32, i32) {
    %c0_i32 = arith.constant 0 : i32
    %c0_i32_0 = arith.constant 0 : i32
    return %arg0, %c0_i32 : i32, i32
  }
  func.func @transform_1(%arg0: i32) -> (i32, i32) {
    %c0_i32 = arith.constant 0 : i32
    %c0_i32_0 = arith.constant 0 : i32
    %c0_i32_1 = arith.constant 0 : i32
    return %c0_i32, %c0_i32_0 : i32, i32
  }
  func.func @transform_2(%arg0: i32) -> (i32, i32) {
    %c0_i32 = arith.constant 0 : i32
    %c0_i32_0 = arith.constant 0 : i32
    %c0_i32_1 = arith.constant 0 : i32
    return %c0_i32, %c0_i32_0 : i32, i32
  }
  func.func @transform_3(%arg0: i32) -> (i32, i32) {
    %c0_i32 = arith.constant 0 : i32
    %c0_i32_0 = arith.constant 0 : i32
    %c0_i32_1 = arith.constant 0 : i32
    return %c0_i32, %c0_i32_0 : i32, i32
  }
  func.func @transform_4(%arg0: i32) -> (i32, i32) {
    %c0_i32 = arith.constant 0 : i32
    %c0_i32_0 = arith.constant 0 : i32
    return %arg0, %c0_i32 : i32, i32
  }
  func.func @transform_5(%arg0: i32) -> (i32, i32) {
    %c0_i32 = arith.constant 0 : i32
    %c0_i32_0 = arith.constant 0 : i32
    return %arg0, %c0_i32 : i32, i32
  }
}

module attributes {stable_mosaic.version = 14 : i64} {
  func.func @_routing_body(%arg0: memref<2048x8xf32, #tpu.memory_space<vmem>>, %arg1: memref<2048x2xi32, #tpu.memory_space<vmem>>, %arg2: memref<2048x2xf32, #tpu.memory_space<vmem>>, %arg3: memref<12x512xi32, #tpu.memory_space<vmem>>, %arg4: memref<24x1xi32, #tpu.memory_space<vmem>>, %arg5: memref<1x1xi32, #tpu.memory_space<vmem>>, %arg6: memref<1x1xf32, #tpu.memory_space<vmem>>) attributes {dimension_semantics = [], scalar_prefetch = 0 : i64, scratch_operands = 0 : i64, tpu.core_type = #tpu.core_type<tc>} {
    %get3A = arith.constant 0 : index
    %get3A_0 = arith.constant 0 : index
    %get3A_1 = vector.load %arg0[%get3A, %get3A_0] : memref<2048x8xf32, #tpu.memory_space<vmem>>, vector<2048x8xf32>
    %reduce_max3A = arith.constant dense<0xFF800000> : vector<2048xf32>
    %reduce_max3A_2 = vector.multi_reduction <maximumf>, %get3A_1, %reduce_max3A [1] : vector<2048x8xf32> to vector<2048xf32>
    %broadcast_in_dim3A = vector.shape_cast %reduce_max3A_2 : vector<2048xf32> to vector<2048x1xf32>
    %sub3A = vector.broadcast %broadcast_in_dim3A : vector<2048x1xf32> to vector<2048x8xf32>
    %sub3A_3 = arith.subf %get3A_1, %sub3A : vector<2048x8xf32>
    %exp3A = math.exp %sub3A_3 : vector<2048x8xf32>
    %reduce_sum3A = arith.constant dense<0.000000e+00> : vector<2048xf32>
    %reduce_sum3A_4 = vector.multi_reduction <add>, %exp3A, %reduce_sum3A [1] : vector<2048x8xf32> to vector<2048xf32>
    %broadcast_in_dim3A_5 = vector.shape_cast %reduce_sum3A_4 : vector<2048xf32> to vector<2048x1xf32>
    %div3A = vector.broadcast %broadcast_in_dim3A_5 : vector<2048x1xf32> to vector<2048x8xf32>
    %div3A_6 = arith.divf %exp3A, %div3A : vector<2048x8xf32>
    %iota3A = tpu.iota {dimensions = array<i32: 1>} : vector<2048x8xi32>
    %convert_element_type3A = arith.sitofp %iota3A : vector<2048x8xi32> to vector<2048x8xf32>
    %reduce_max3A_7 = arith.constant dense<0xFF800000> : vector<2048xf32>
    %reduce_max3A_8 = vector.multi_reduction <maximumf>, %div3A_6, %reduce_max3A_7 [1] : vector<2048x8xf32> to vector<2048xf32>
    %broadcast_in_dim3A_9 = vector.shape_cast %reduce_max3A_8 : vector<2048xf32> to vector<2048x1xf32>
    %eq3A = vector.broadcast %broadcast_in_dim3A_9 : vector<2048x1xf32> to vector<2048x8xf32>
    %eq3A_10 = arith.cmpf oeq, %div3A_6, %eq3A : vector<2048x8xf32>
    %jit3A = arith.constant 8.000000e+00 : f32
    %broadcast_in_dim3A_11 = vector.broadcast %jit3A : f32 to vector<2048x8xf32>
    %select_n3A = arith.select %eq3A_10, %convert_element_type3A, %broadcast_in_dim3A_11 : vector<2048x8xi1>, vector<2048x8xf32>
    %reduce_min3A = arith.constant dense<0x7F800000> : vector<2048xf32>
    %reduce_min3A_12 = vector.multi_reduction <minimumf>, %select_n3A, %reduce_min3A [1] : vector<2048x8xf32> to vector<2048xf32>
    %broadcast_in_dim3A_13 = vector.shape_cast %reduce_min3A_12 : vector<2048xf32> to vector<2048x1xf32>
    %eq3A_14 = vector.broadcast %broadcast_in_dim3A_13 : vector<2048x1xf32> to vector<2048x8xf32>
    %eq3A_15 = arith.cmpf oeq, %convert_element_type3A, %eq3A_14 : vector<2048x8xf32>
    %convert_element_type3A_16 = arith.extui %eq3A_15 : vector<2048x8xi1> to vector<2048x8xi32>
    %convert_element_type3A_17 = arith.sitofp %convert_element_type3A_16 : vector<2048x8xi32> to vector<2048x8xf32>
    %gt3A = arith.constant 0.000000e+00 : f32
    %gt3A_18 = vector.broadcast %gt3A : f32 to vector<2048x8xf32>
    %gt3A_19 = arith.cmpf ogt, %convert_element_type3A_17, %gt3A_18 : vector<2048x8xf32>
    %jit3A_20 = arith.constant 0xFF800000 : f32
    %broadcast_in_dim3A_21 = vector.broadcast %jit3A_20 : f32 to vector<2048x8xf32>
    %select_n3A_22 = arith.select %gt3A_19, %broadcast_in_dim3A_21, %div3A_6 : vector<2048x8xi1>, vector<2048x8xf32>
    %reduce_max3A_23 = arith.constant dense<0xFF800000> : vector<2048xf32>
    %reduce_max3A_24 = vector.multi_reduction <maximumf>, %select_n3A_22, %reduce_max3A_23 [1] : vector<2048x8xf32> to vector<2048xf32>
    %broadcast_in_dim3A_25 = vector.shape_cast %reduce_max3A_24 : vector<2048xf32> to vector<2048x1xf32>
    %eq3A_26 = vector.broadcast %broadcast_in_dim3A_25 : vector<2048x1xf32> to vector<2048x8xf32>
    %eq3A_27 = arith.cmpf oeq, %select_n3A_22, %eq3A_26 : vector<2048x8xf32>
    %jit3A_28 = arith.constant 8.000000e+00 : f32
    %broadcast_in_dim3A_29 = vector.broadcast %jit3A_28 : f32 to vector<2048x8xf32>
    %select_n3A_30 = arith.select %eq3A_27, %convert_element_type3A, %broadcast_in_dim3A_29 : vector<2048x8xi1>, vector<2048x8xf32>
    %reduce_min3A_31 = arith.constant dense<0x7F800000> : vector<2048xf32>
    %reduce_min3A_32 = vector.multi_reduction <minimumf>, %select_n3A_30, %reduce_min3A_31 [1] : vector<2048x8xf32> to vector<2048xf32>
    %broadcast_in_dim3A_33 = vector.shape_cast %reduce_min3A_32 : vector<2048xf32> to vector<2048x1xf32>
    %eq3A_34 = vector.broadcast %broadcast_in_dim3A_33 : vector<2048x1xf32> to vector<2048x8xf32>
    %eq3A_35 = arith.cmpf oeq, %convert_element_type3A, %eq3A_34 : vector<2048x8xf32>
    %convert_element_type3A_36 = arith.extui %eq3A_35 : vector<2048x8xi1> to vector<2048x8xi32>
    %convert_element_type3A_37 = arith.sitofp %convert_element_type3A_36 : vector<2048x8xi32> to vector<2048x8xf32>
    %add3A = arith.addf %broadcast_in_dim3A_9, %broadcast_in_dim3A_25 : vector<2048x1xf32>
    %add3A_38 = arith.constant 9.99999971E-10 : f32
    %add3A_39 = vector.broadcast %add3A_38 : f32 to vector<2048x1xf32>
    %add3A_40 = arith.addf %add3A, %add3A_39 : vector<2048x1xf32>
    %div3A_41 = arith.divf %broadcast_in_dim3A_9, %add3A_40 : vector<2048x1xf32>
    %div3A_42 = arith.divf %broadcast_in_dim3A_25, %add3A_40 : vector<2048x1xf32>
    %add3A_43 = arith.addf %convert_element_type3A_17, %convert_element_type3A_37 : vector<2048x8xf32>
    %iota3A_44 = tpu.iota {dimensions = array<i32: 0>} : vector<2048x2048xi32>
    %iota3A_45 = tpu.iota {dimensions = array<i32: 1>} : vector<2048x2048xi32>
    %lt3A = arith.cmpi slt, %iota3A_45, %iota3A_44 : vector<2048x2048xi32>
    %convert_element_type3A_46 = arith.extui %lt3A : vector<2048x2048xi1> to vector<2048x2048xi32>
    %convert_element_type3A_47 = arith.sitofp %convert_element_type3A_46 : vector<2048x2048xi32> to vector<2048x2048xf32>
    %dot_general3A = arith.constant dense<0.000000e+00> : vector<2048x8xf32>
    %dot_general3A_48 = tpu.matmul %convert_element_type3A_47, %add3A_43, %dot_general3A {dimension_numbers = #tpu.dot_dimension_numbers<[1], [0], [0], [1], [0, 0, 1, 1], [], []>, precision = #tpu.contract_precision<fp32>, transpose_lhs_hint = false} : vector<2048x2048xf32>, vector<2048x8xf32>, vector<2048x8xf32> -> vector<2048x8xf32>
    %reduce_sum3A_49 = arith.constant dense<0.000000e+00> : vector<8xf32>
    %reduce_sum3A_50 = vector.multi_reduction <add>, %add3A_43, %reduce_sum3A_49 [0] : vector<2048x8xf32> to vector<8xf32>
    %broadcast_in_dim3A_51 = vector.shape_cast %reduce_sum3A_50 : vector<8xf32> to vector<1x8xf32>
    %div3A_52 = arith.constant 2.560000e+02 : f32
    %div3A_53 = vector.broadcast %div3A_52 : f32 to vector<1x8xf32>
    %div3A_54 = arith.divf %broadcast_in_dim3A_51, %div3A_53 : vector<1x8xf32>
    %ceil3A = math.ceil %div3A_54 : vector<1x8xf32>
    %mul3A = arith.constant 2.560000e+02 : f32
    %mul3A_55 = vector.broadcast %mul3A : f32 to vector<1x8xf32>
    %mul3A_56 = arith.mulf %ceil3A, %mul3A_55 : vector<1x8xf32>
    %iota3A_57 = tpu.iota {dimensions = array<i32: 0>} : vector<8x8xi32>
    %iota3A_58 = tpu.iota {dimensions = array<i32: 1>} : vector<8x8xi32>
    %lt3A_59 = arith.cmpi slt, %iota3A_57, %iota3A_58 : vector<8x8xi32>
    %convert_element_type3A_60 = arith.extui %lt3A_59 : vector<8x8xi1> to vector<8x8xi32>
    %convert_element_type3A_61 = arith.sitofp %convert_element_type3A_60 : vector<8x8xi32> to vector<8x8xf32>
    %dot_general3A_62 = arith.constant dense<0.000000e+00> : vector<1x8xf32>
    %dot_general3A_63 = tpu.matmul %mul3A_56, %convert_element_type3A_61, %dot_general3A_62 {dimension_numbers = #tpu.dot_dimension_numbers<[1], [0], [0], [1], [0, 0, 1, 1], [], []>, precision = #tpu.contract_precision<fp32>, transpose_lhs_hint = false} : vector<1x8xf32>, vector<8x8xf32>, vector<1x8xf32> -> vector<1x8xf32>
    %add3A_64 = vector.broadcast %dot_general3A_63 : vector<1x8xf32> to vector<2048x8xf32>
    %add3A_65 = arith.addf %add3A_64, %dot_general3A_48 : vector<2048x8xf32>
    %mul3A_66 = arith.mulf %convert_element_type3A_17, %add3A_65 : vector<2048x8xf32>
    %reduce_sum3A_67 = arith.constant dense<0.000000e+00> : vector<2048xf32>
    %reduce_sum3A_68 = vector.multi_reduction <add>, %mul3A_66, %reduce_sum3A_67 [1] : vector<2048x8xf32> to vector<2048xf32>
    %broadcast_in_dim3A_69 = vector.shape_cast %reduce_sum3A_68 : vector<2048xf32> to vector<2048x1xf32>
    %mul3A_70 = arith.mulf %convert_element_type3A_37, %add3A_65 : vector<2048x8xf32>
    %reduce_sum3A_71 = arith.constant dense<0.000000e+00> : vector<2048xf32>
    %reduce_sum3A_72 = vector.multi_reduction <add>, %mul3A_70, %reduce_sum3A_71 [1] : vector<2048x8xf32> to vector<2048xf32>
    %broadcast_in_dim3A_73 = vector.shape_cast %reduce_sum3A_72 : vector<2048xf32> to vector<2048x1xf32>
    %concatenate3A = tpu.concatenate %broadcast_in_dim3A_69, %broadcast_in_dim3A_73 in 1 : vector<2048x1xf32>, vector<2048x1xf32> -> vector<2048x2xf32>
    %convert_element_type3A_74 = arith.fptosi %concatenate3A : vector<2048x2xf32> to vector<2048x2xi32>
    %swap3A = arith.constant 0 : index
    %swap3A_75 = arith.constant 0 : index
    %swap3A_76 = vector.load %arg1[%swap3A, %swap3A_75] : memref<2048x2xi32, #tpu.memory_space<vmem>>, vector<2048x2xi32>
    tpu.vector_store %arg1[%swap3A, %swap3A_75], %convert_element_type3A_74 {strides = array<i32>} : memref<2048x2xi32, #tpu.memory_space<vmem>>, vector<2048x2xi32>,
    %concatenate3A_77 = tpu.concatenate %div3A_41, %div3A_42 in 1 : vector<2048x1xf32>, vector<2048x1xf32> -> vector<2048x2xf32>
    %swap3A_78 = arith.constant 0 : index
    %swap3A_79 = arith.constant 0 : index
    %swap3A_80 = vector.load %arg2[%swap3A_78, %swap3A_79] : memref<2048x2xf32, #tpu.memory_space<vmem>>, vector<2048x2xf32>
    tpu.vector_store %arg2[%swap3A_78, %swap3A_79], %concatenate3A_77 {strides = array<i32>} : memref<2048x2xf32, #tpu.memory_space<vmem>>, vector<2048x2xf32>,
    %iota3A_81 = tpu.iota {dimensions = array<i32: 0>} : vector<2048x1xi32>
    %convert_element_type3A_82 = arith.sitofp %iota3A_81 : vector<2048x1xi32> to vector<2048x1xf32>
    %iota3A_83 = tpu.iota {dimensions = array<i32: 1>} : vector<1x512xi32>
    %convert_element_type3A_84 = arith.sitofp %iota3A_83 : vector<1x512xi32> to vector<1x512xf32>
    %add3A_85 = arith.constant 0.000000e+00 : f32
    %add3A_86 = vector.broadcast %add3A_85 : f32 to vector<1x512xf32>
    %add3A_87 = arith.addf %convert_element_type3A_84, %add3A_86 : vector<1x512xf32>
    %eq3A_88 = vector.broadcast %broadcast_in_dim3A_69 : vector<2048x1xf32> to vector<2048x512xf32>
    %eq3A_89 = vector.broadcast %add3A_87 : vector<1x512xf32> to vector<2048x512xf32>
    %eq3A_90 = arith.cmpf oeq, %eq3A_88, %eq3A_89 : vector<2048x512xf32>
    %jit3A_91 = arith.constant 0.000000e+00 : f32
    %broadcast_in_dim3A_92 = vector.shape_cast %convert_element_type3A_82 : vector<2048x1xf32> to vector<2048x1xf32>
    %broadcast_in_dim3A_93 = vector.broadcast %broadcast_in_dim3A_92 : vector<2048x1xf32> to vector<2048x512xf32>
    %broadcast_in_dim3A_94 = vector.broadcast %jit3A_91 : f32 to vector<2048x512xf32>
    %select_n3A_95 = arith.select %eq3A_90, %broadcast_in_dim3A_93, %broadcast_in_dim3A_94 : vector<2048x512xi1>, vector<2048x512xf32>
    %reduce_sum3A_96 = arith.constant dense<0.000000e+00> : vector<512xf32>
    %reduce_sum3A_97 = vector.multi_reduction <add>, %select_n3A_95, %reduce_sum3A_96 [0] : vector<2048x512xf32> to vector<512xf32>
    %eq3A_98 = vector.broadcast %broadcast_in_dim3A_73 : vector<2048x1xf32> to vector<2048x512xf32>
    %eq3A_99 = vector.broadcast %add3A_87 : vector<1x512xf32> to vector<2048x512xf32>
    %eq3A_100 = arith.cmpf oeq, %eq3A_98, %eq3A_99 : vector<2048x512xf32>
    %jit3A_101 = arith.constant 0.000000e+00 : f32
    %broadcast_in_dim3A_102 = vector.shape_cast %convert_element_type3A_82 : vector<2048x1xf32> to vector<2048x1xf32>
    %broadcast_in_dim3A_103 = vector.broadcast %broadcast_in_dim3A_102 : vector<2048x1xf32> to vector<2048x512xf32>
    %broadcast_in_dim3A_104 = vector.broadcast %jit3A_101 : f32 to vector<2048x512xf32>
    %select_n3A_105 = arith.select %eq3A_100, %broadcast_in_dim3A_103, %broadcast_in_dim3A_104 : vector<2048x512xi1>, vector<2048x512xf32>
    %reduce_sum3A_106 = arith.constant dense<0.000000e+00> : vector<512xf32>
    %reduce_sum3A_107 = vector.multi_reduction <add>, %select_n3A_105, %reduce_sum3A_106 [0] : vector<2048x512xf32> to vector<512xf32>
    %add3A_108 = arith.addf %reduce_sum3A_97, %reduce_sum3A_107 : vector<512xf32>
    %convert_element_type3A_109 = arith.fptosi %add3A_108 : vector<512xf32> to vector<512xi32>
    %swap3A_110 = arith.constant 0 : index
    %swap3A_111 = arith.constant 0 : index
    %swap3A_112 = vector.load %arg3[%swap3A_110, %swap3A_111] : memref<12x512xi32, #tpu.memory_space<vmem>>, vector<1x512xi32>
    %swap3A_113 = vector.shape_cast %swap3A_112 : vector<1x512xi32> to vector<512xi32>
    %swap3A_114 = vector.shape_cast %convert_element_type3A_109 : vector<512xi32> to vector<1x512xi32>
    tpu.vector_store %arg3[%swap3A_110, %swap3A_111], %swap3A_114 {strides = array<i32>} : memref<12x512xi32, #tpu.memory_space<vmem>>, vector<1x512xi32>,
    %iota3A_115 = tpu.iota {dimensions = array<i32: 1>} : vector<1x512xi32>
    %convert_element_type3A_116 = arith.sitofp %iota3A_115 : vector<1x512xi32> to vector<1x512xf32>
    %add3A_117 = arith.constant 5.120000e+02 : f32
    %add3A_118 = vector.broadcast %add3A_117 : f32 to vector<1x512xf32>
    %add3A_119 = arith.addf %convert_element_type3A_116, %add3A_118 : vector<1x512xf32>
    %eq3A_120 = vector.broadcast %broadcast_in_dim3A_69 : vector<2048x1xf32> to vector<2048x512xf32>
    %eq3A_121 = vector.broadcast %add3A_119 : vector<1x512xf32> to vector<2048x512xf32>
    %eq3A_122 = arith.cmpf oeq, %eq3A_120, %eq3A_121 : vector<2048x512xf32>
    %jit3A_123 = arith.constant 0.000000e+00 : f32
    %broadcast_in_dim3A_124 = vector.shape_cast %convert_element_type3A_82 : vector<2048x1xf32> to vector<2048x1xf32>
    %broadcast_in_dim3A_125 = vector.broadcast %broadcast_in_dim3A_124 : vector<2048x1xf32> to vector<2048x512xf32>
    %broadcast_in_dim3A_126 = vector.broadcast %jit3A_123 : f32 to vector<2048x512xf32>
    %select_n3A_127 = arith.select %eq3A_122, %broadcast_in_dim3A_125, %broadcast_in_dim3A_126 : vector<2048x512xi1>, vector<2048x512xf32>
    %reduce_sum3A_128 = arith.constant dense<0.000000e+00> : vector<512xf32>
    %reduce_sum3A_129 = vector.multi_reduction <add>, %select_n3A_127, %reduce_sum3A_128 [0] : vector<2048x512xf32> to vector<512xf32>
    %eq3A_130 = vector.broadcast %broadcast_in_dim3A_73 : vector<2048x1xf32> to vector<2048x512xf32>
    %eq3A_131 = vector.broadcast %add3A_119 : vector<1x512xf32> to vector<2048x512xf32>
    %eq3A_132 = arith.cmpf oeq, %eq3A_130, %eq3A_131 : vector<2048x512xf32>
    %jit3A_133 = arith.constant 0.000000e+00 : f32
    %broadcast_in_dim3A_134 = vector.shape_cast %convert_element_type3A_82 : vector<2048x1xf32> to vector<2048x1xf32>
    %broadcast_in_dim3A_135 = vector.broadcast %broadcast_in_dim3A_134 : vector<2048x1xf32> to vector<2048x512xf32>
    %broadcast_in_dim3A_136 = vector.broadcast %jit3A_133 : f32 to vector<2048x512xf32>
    %select_n3A_137 = arith.select %eq3A_132, %broadcast_in_dim3A_135, %broadcast_in_dim3A_136 : vector<2048x512xi1>, vector<2048x512xf32>
    %reduce_sum3A_138 = arith.constant dense<0.000000e+00> : vector<512xf32>
    %reduce_sum3A_139 = vector.multi_reduction <add>, %select_n3A_137, %reduce_sum3A_138 [0] : vector<2048x512xf32> to vector<512xf32>
    %add3A_140 = arith.addf %reduce_sum3A_129, %reduce_sum3A_139 : vector<512xf32>
    %convert_element_type3A_141 = arith.fptosi %add3A_140 : vector<512xf32> to vector<512xi32>
    %swap3A_142 = arith.constant 1 : index
    %swap3A_143 = arith.constant 0 : index
    %swap3A_144 = vector.load %arg3[%swap3A_142, %swap3A_143] : memref<12x512xi32, #tpu.memory_space<vmem>>, vector<1x512xi32>
    %swap3A_145 = vector.shape_cast %swap3A_144 : vector<1x512xi32> to vector<512xi32>
    %swap3A_146 = vector.shape_cast %convert_element_type3A_141 : vector<512xi32> to vector<1x512xi32>
    tpu.vector_store %arg3[%swap3A_142, %swap3A_143], %swap3A_146 {strides = array<i32>} : memref<12x512xi32, #tpu.memory_space<vmem>>, vector<1x512xi32>,
    %iota3A_147 = tpu.iota {dimensions = array<i32: 1>} : vector<1x512xi32>
    %convert_element_type3A_148 = arith.sitofp %iota3A_147 : vector<1x512xi32> to vector<1x512xf32>
    %add3A_149 = arith.constant 1.024000e+03 : f32
    %add3A_150 = vector.broadcast %add3A_149 : f32 to vector<1x512xf32>
    %add3A_151 = arith.addf %convert_element_type3A_148, %add3A_150 : vector<1x512xf32>
    %eq3A_152 = vector.broadcast %broadcast_in_dim3A_69 : vector<2048x1xf32> to vector<2048x512xf32>
    %eq3A_153 = vector.broadcast %add3A_151 : vector<1x512xf32> to vector<2048x512xf32>
    %eq3A_154 = arith.cmpf oeq, %eq3A_152, %eq3A_153 : vector<2048x512xf32>
    %jit3A_155 = arith.constant 0.000000e+00 : f32
    %broadcast_in_dim3A_156 = vector.shape_cast %convert_element_type3A_82 : vector<2048x1xf32> to vector<2048x1xf32>
    %broadcast_in_dim3A_157 = vector.broadcast %broadcast_in_dim3A_156 : vector<2048x1xf32> to vector<2048x512xf32>
    %broadcast_in_dim3A_158 = vector.broadcast %jit3A_155 : f32 to vector<2048x512xf32>
    %select_n3A_159 = arith.select %eq3A_154, %broadcast_in_dim3A_157, %broadcast_in_dim3A_158 : vector<2048x512xi1>, vector<2048x512xf32>
    %reduce_sum3A_160 = arith.constant dense<0.000000e+00> : vector<512xf32>
    %reduce_sum3A_161 = vector.multi_reduction <add>, %select_n3A_159, %reduce_sum3A_160 [0] : vector<2048x512xf32> to vector<512xf32>
    %eq3A_162 = vector.broadcast %broadcast_in_dim3A_73 : vector<2048x1xf32> to vector<2048x512xf32>
    %eq3A_163 = vector.broadcast %add3A_151 : vector<1x512xf32> to vector<2048x512xf32>
    %eq3A_164 = arith.cmpf oeq, %eq3A_162, %eq3A_163 : vector<2048x512xf32>
    %jit3A_165 = arith.constant 0.000000e+00 : f32
    %broadcast_in_dim3A_166 = vector.shape_cast %convert_element_type3A_82 : vector<2048x1xf32> to vector<2048x1xf32>
    %broadcast_in_dim3A_167 = vector.broadcast %broadcast_in_dim3A_166 : vector<2048x1xf32> to vector<2048x512xf32>
    %broadcast_in_dim3A_168 = vector.broadcast %jit3A_165 : f32 to vector<2048x512xf32>
    %select_n3A_169 = arith.select %eq3A_164, %broadcast_in_dim3A_167, %broadcast_in_dim3A_168 : vector<2048x512xi1>, vector<2048x512xf32>
    %reduce_sum3A_170 = arith.constant dense<0.000000e+00> : vector<512xf32>
    %reduce_sum3A_171 = vector.multi_reduction <add>, %select_n3A_169, %reduce_sum3A_170 [0] : vector<2048x512xf32> to vector<512xf32>
    %add3A_172 = arith.addf %reduce_sum3A_161, %reduce_sum3A_171 : vector<512xf32>
    %convert_element_type3A_173 = arith.fptosi %add3A_172 : vector<512xf32> to vector<512xi32>
    %swap3A_174 = arith.constant 2 : index
    %swap3A_175 = arith.constant 0 : index
    %swap3A_176 = vector.load %arg3[%swap3A_174, %swap3A_175] : memref<12x512xi32, #tpu.memory_space<vmem>>, vector<1x512xi32>
    %swap3A_177 = vector.shape_cast %swap3A_176 : vector<1x512xi32> to vector<512xi32>
    %swap3A_178 = vector.shape_cast %convert_element_type3A_173 : vector<512xi32> to vector<1x512xi32>
    tpu.vector_store %arg3[%swap3A_174, %swap3A_175], %swap3A_178 {strides = array<i32>} : memref<12x512xi32, #tpu.memory_space<vmem>>, vector<1x512xi32>,
    %iota3A_179 = tpu.iota {dimensions = array<i32: 1>} : vector<1x512xi32>
    %convert_element_type3A_180 = arith.sitofp %iota3A_179 : vector<1x512xi32> to vector<1x512xf32>
    %add3A_181 = arith.constant 1.536000e+03 : f32
    %add3A_182 = vector.broadcast %add3A_181 : f32 to vector<1x512xf32>
    %add3A_183 = arith.addf %convert_element_type3A_180, %add3A_182 : vector<1x512xf32>
    %eq3A_184 = vector.broadcast %broadcast_in_dim3A_69 : vector<2048x1xf32> to vector<2048x512xf32>
    %eq3A_185 = vector.broadcast %add3A_183 : vector<1x512xf32> to vector<2048x512xf32>
    %eq3A_186 = arith.cmpf oeq, %eq3A_184, %eq3A_185 : vector<2048x512xf32>
    %jit3A_187 = arith.constant 0.000000e+00 : f32
    %broadcast_in_dim3A_188 = vector.shape_cast %convert_element_type3A_82 : vector<2048x1xf32> to vector<2048x1xf32>
    %broadcast_in_dim3A_189 = vector.broadcast %broadcast_in_dim3A_188 : vector<2048x1xf32> to vector<2048x512xf32>
    %broadcast_in_dim3A_190 = vector.broadcast %jit3A_187 : f32 to vector<2048x512xf32>
    %select_n3A_191 = arith.select %eq3A_186, %broadcast_in_dim3A_189, %broadcast_in_dim3A_190 : vector<2048x512xi1>, vector<2048x512xf32>
    %reduce_sum3A_192 = arith.constant dense<0.000000e+00> : vector<512xf32>
    %reduce_sum3A_193 = vector.multi_reduction <add>, %select_n3A_191, %reduce_sum3A_192 [0] : vector<2048x512xf32> to vector<512xf32>
    %eq3A_194 = vector.broadcast %broadcast_in_dim3A_73 : vector<2048x1xf32> to vector<2048x512xf32>
    %eq3A_195 = vector.broadcast %add3A_183 : vector<1x512xf32> to vector<2048x512xf32>
    %eq3A_196 = arith.cmpf oeq, %eq3A_194, %eq3A_195 : vector<2048x512xf32>
    %jit3A_197 = arith.constant 0.000000e+00 : f32
    %broadcast_in_dim3A_198 = vector.shape_cast %convert_element_type3A_82 : vector<2048x1xf32> to vector<2048x1xf32>
    %broadcast_in_dim3A_199 = vector.broadcast %broadcast_in_dim3A_198 : vector<2048x1xf32> to vector<2048x512xf32>
    %broadcast_in_dim3A_200 = vector.broadcast %jit3A_197 : f32 to vector<2048x512xf32>
    %select_n3A_201 = arith.select %eq3A_196, %broadcast_in_dim3A_199, %broadcast_in_dim3A_200 : vector<2048x512xi1>, vector<2048x512xf32>
    %reduce_sum3A_202 = arith.constant dense<0.000000e+00> : vector<512xf32>
    %reduce_sum3A_203 = vector.multi_reduction <add>, %select_n3A_201, %reduce_sum3A_202 [0] : vector<2048x512xf32> to vector<512xf32>
    %add3A_204 = arith.addf %reduce_sum3A_193, %reduce_sum3A_203 : vector<512xf32>
    %convert_element_type3A_205 = arith.fptosi %add3A_204 : vector<512xf32> to vector<512xi32>
    %swap3A_206 = arith.constant 3 : index
    %swap3A_207 = arith.constant 0 : index
    %swap3A_208 = vector.load %arg3[%swap3A_206, %swap3A_207] : memref<12x512xi32, #tpu.memory_space<vmem>>, vector<1x512xi32>
    %swap3A_209 = vector.shape_cast %swap3A_208 : vector<1x512xi32> to vector<512xi32>
    %swap3A_210 = vector.shape_cast %convert_element_type3A_205 : vector<512xi32> to vector<1x512xi32>
    tpu.vector_store %arg3[%swap3A_206, %swap3A_207], %swap3A_210 {strides = array<i32>} : memref<12x512xi32, #tpu.memory_space<vmem>>, vector<1x512xi32>,
    %iota3A_211 = tpu.iota {dimensions = array<i32: 1>} : vector<1x512xi32>
    %convert_element_type3A_212 = arith.sitofp %iota3A_211 : vector<1x512xi32> to vector<1x512xf32>
    %add3A_213 = arith.constant 2.048000e+03 : f32
    %add3A_214 = vector.broadcast %add3A_213 : f32 to vector<1x512xf32>
    %add3A_215 = arith.addf %convert_element_type3A_212, %add3A_214 : vector<1x512xf32>
    %eq3A_216 = vector.broadcast %broadcast_in_dim3A_69 : vector<2048x1xf32> to vector<2048x512xf32>
    %eq3A_217 = vector.broadcast %add3A_215 : vector<1x512xf32> to vector<2048x512xf32>
    %eq3A_218 = arith.cmpf oeq, %eq3A_216, %eq3A_217 : vector<2048x512xf32>
    %jit3A_219 = arith.constant 0.000000e+00 : f32
    %broadcast_in_dim3A_220 = vector.shape_cast %convert_element_type3A_82 : vector<2048x1xf32> to vector<2048x1xf32>
    %broadcast_in_dim3A_221 = vector.broadcast %broadcast_in_dim3A_220 : vector<2048x1xf32> to vector<2048x512xf32>
    %broadcast_in_dim3A_222 = vector.broadcast %jit3A_219 : f32 to vector<2048x512xf32>
    %select_n3A_223 = arith.select %eq3A_218, %broadcast_in_dim3A_221, %broadcast_in_dim3A_222 : vector<2048x512xi1>, vector<2048x512xf32>
    %reduce_sum3A_224 = arith.constant dense<0.000000e+00> : vector<512xf32>
    %reduce_sum3A_225 = vector.multi_reduction <add>, %select_n3A_223, %reduce_sum3A_224 [0] : vector<2048x512xf32> to vector<512xf32>
    %eq3A_226 = vector.broadcast %broadcast_in_dim3A_73 : vector<2048x1xf32> to vector<2048x512xf32>
    %eq3A_227 = vector.broadcast %add3A_215 : vector<1x512xf32> to vector<2048x512xf32>
    %eq3A_228 = arith.cmpf oeq, %eq3A_226, %eq3A_227 : vector<2048x512xf32>
    %jit3A_229 = arith.constant 0.000000e+00 : f32
    %broadcast_in_dim3A_230 = vector.shape_cast %convert_element_type3A_82 : vector<2048x1xf32> to vector<2048x1xf32>
    %broadcast_in_dim3A_231 = vector.broadcast %broadcast_in_dim3A_230 : vector<2048x1xf32> to vector<2048x512xf32>
    %broadcast_in_dim3A_232 = vector.broadcast %jit3A_229 : f32 to vector<2048x512xf32>
    %select_n3A_233 = arith.select %eq3A_228, %broadcast_in_dim3A_231, %broadcast_in_dim3A_232 : vector<2048x512xi1>, vector<2048x512xf32>
    %reduce_sum3A_234 = arith.constant dense<0.000000e+00> : vector<512xf32>
    %reduce_sum3A_235 = vector.multi_reduction <add>, %select_n3A_233, %reduce_sum3A_234 [0] : vector<2048x512xf32> to vector<512xf32>
    %add3A_236 = arith.addf %reduce_sum3A_225, %reduce_sum3A_235 : vector<512xf32>
    %convert_element_type3A_237 = arith.fptosi %add3A_236 : vector<512xf32> to vector<512xi32>
    %swap3A_238 = arith.constant 4 : index
    %swap3A_239 = arith.constant 0 : index
    %swap3A_240 = vector.load %arg3[%swap3A_238, %swap3A_239] : memref<12x512xi32, #tpu.memory_space<vmem>>, vector<1x512xi32>
    %swap3A_241 = vector.shape_cast %swap3A_240 : vector<1x512xi32> to vector<512xi32>
    %swap3A_242 = vector.shape_cast %convert_element_type3A_237 : vector<512xi32> to vector<1x512xi32>
    tpu.vector_store %arg3[%swap3A_238, %swap3A_239], %swap3A_242 {strides = array<i32>} : memref<12x512xi32, #tpu.memory_space<vmem>>, vector<1x512xi32>,
    %iota3A_243 = tpu.iota {dimensions = array<i32: 1>} : vector<1x512xi32>
    %convert_element_type3A_244 = arith.sitofp %iota3A_243 : vector<1x512xi32> to vector<1x512xf32>
    %add3A_245 = arith.constant 2.560000e+03 : f32
    %add3A_246 = vector.broadcast %add3A_245 : f32 to vector<1x512xf32>
    %add3A_247 = arith.addf %convert_element_type3A_244, %add3A_246 : vector<1x512xf32>
    %eq3A_248 = vector.broadcast %broadcast_in_dim3A_69 : vector<2048x1xf32> to vector<2048x512xf32>
    %eq3A_249 = vector.broadcast %add3A_247 : vector<1x512xf32> to vector<2048x512xf32>
    %eq3A_250 = arith.cmpf oeq, %eq3A_248, %eq3A_249 : vector<2048x512xf32>
    %jit3A_251 = arith.constant 0.000000e+00 : f32
    %broadcast_in_dim3A_252 = vector.shape_cast %convert_element_type3A_82 : vector<2048x1xf32> to vector<2048x1xf32>
    %broadcast_in_dim3A_253 = vector.broadcast %broadcast_in_dim3A_252 : vector<2048x1xf32> to vector<2048x512xf32>
    %broadcast_in_dim3A_254 = vector.broadcast %jit3A_251 : f32 to vector<2048x512xf32>
    %select_n3A_255 = arith.select %eq3A_250, %broadcast_in_dim3A_253, %broadcast_in_dim3A_254 : vector<2048x512xi1>, vector<2048x512xf32>
    %reduce_sum3A_256 = arith.constant dense<0.000000e+00> : vector<512xf32>
    %reduce_sum3A_257 = vector.multi_reduction <add>, %select_n3A_255, %reduce_sum3A_256 [0] : vector<2048x512xf32> to vector<512xf32>
    %eq3A_258 = vector.broadcast %broadcast_in_dim3A_73 : vector<2048x1xf32> to vector<2048x512xf32>
    %eq3A_259 = vector.broadcast %add3A_247 : vector<1x512xf32> to vector<2048x512xf32>
    %eq3A_260 = arith.cmpf oeq, %eq3A_258, %eq3A_259 : vector<2048x512xf32>
    %jit3A_261 = arith.constant 0.000000e+00 : f32
    %broadcast_in_dim3A_262 = vector.shape_cast %convert_element_type3A_82 : vector<2048x1xf32> to vector<2048x1xf32>
    %broadcast_in_dim3A_263 = vector.broadcast %broadcast_in_dim3A_262 : vector<2048x1xf32> to vector<2048x512xf32>
    %broadcast_in_dim3A_264 = vector.broadcast %jit3A_261 : f32 to vector<2048x512xf32>
    %select_n3A_265 = arith.select %eq3A_260, %broadcast_in_dim3A_263, %broadcast_in_dim3A_264 : vector<2048x512xi1>, vector<2048x512xf32>
    %reduce_sum3A_266 = arith.constant dense<0.000000e+00> : vector<512xf32>
    %reduce_sum3A_267 = vector.multi_reduction <add>, %select_n3A_265, %reduce_sum3A_266 [0] : vector<2048x512xf32> to vector<512xf32>
    %add3A_268 = arith.addf %reduce_sum3A_257, %reduce_sum3A_267 : vector<512xf32>
    %convert_element_type3A_269 = arith.fptosi %add3A_268 : vector<512xf32> to vector<512xi32>
    %swap3A_270 = arith.constant 5 : index
    %swap3A_271 = arith.constant 0 : index
    %swap3A_272 = vector.load %arg3[%swap3A_270, %swap3A_271] : memref<12x512xi32, #tpu.memory_space<vmem>>, vector<1x512xi32>
    %swap3A_273 = vector.shape_cast %swap3A_272 : vector<1x512xi32> to vector<512xi32>
    %swap3A_274 = vector.shape_cast %convert_element_type3A_269 : vector<512xi32> to vector<1x512xi32>
    tpu.vector_store %arg3[%swap3A_270, %swap3A_271], %swap3A_274 {strides = array<i32>} : memref<12x512xi32, #tpu.memory_space<vmem>>, vector<1x512xi32>,
    %iota3A_275 = tpu.iota {dimensions = array<i32: 1>} : vector<1x512xi32>
    %convert_element_type3A_276 = arith.sitofp %iota3A_275 : vector<1x512xi32> to vector<1x512xf32>
    %add3A_277 = arith.constant 3.072000e+03 : f32
    %add3A_278 = vector.broadcast %add3A_277 : f32 to vector<1x512xf32>
    %add3A_279 = arith.addf %convert_element_type3A_276, %add3A_278 : vector<1x512xf32>
    %eq3A_280 = vector.broadcast %broadcast_in_dim3A_69 : vector<2048x1xf32> to vector<2048x512xf32>
    %eq3A_281 = vector.broadcast %add3A_279 : vector<1x512xf32> to vector<2048x512xf32>
    %eq3A_282 = arith.cmpf oeq, %eq3A_280, %eq3A_281 : vector<2048x512xf32>
    %jit3A_283 = arith.constant 0.000000e+00 : f32
    %broadcast_in_dim3A_284 = vector.shape_cast %convert_element_type3A_82 : vector<2048x1xf32> to vector<2048x1xf32>
    %broadcast_in_dim3A_285 = vector.broadcast %broadcast_in_dim3A_284 : vector<2048x1xf32> to vector<2048x512xf32>
    %broadcast_in_dim3A_286 = vector.broadcast %jit3A_283 : f32 to vector<2048x512xf32>
    %select_n3A_287 = arith.select %eq3A_282, %broadcast_in_dim3A_285, %broadcast_in_dim3A_286 : vector<2048x512xi1>, vector<2048x512xf32>
    %reduce_sum3A_288 = arith.constant dense<0.000000e+00> : vector<512xf32>
    %reduce_sum3A_289 = vector.multi_reduction <add>, %select_n3A_287, %reduce_sum3A_288 [0] : vector<2048x512xf32> to vector<512xf32>
    %eq3A_290 = vector.broadcast %broadcast_in_dim3A_73 : vector<2048x1xf32> to vector<2048x512xf32>
    %eq3A_291 = vector.broadcast %add3A_279 : vector<1x512xf32> to vector<2048x512xf32>
    %eq3A_292 = arith.cmpf oeq, %eq3A_290, %eq3A_291 : vector<2048x512xf32>
    %jit3A_293 = arith.constant 0.000000e+00 : f32
    %broadcast_in_dim3A_294 = vector.shape_cast %convert_element_type3A_82 : vector<2048x1xf32> to vector<2048x1xf32>
    %broadcast_in_dim3A_295 = vector.broadcast %broadcast_in_dim3A_294 : vector<2048x1xf32> to vector<2048x512xf32>
    %broadcast_in_dim3A_296 = vector.broadcast %jit3A_293 : f32 to vector<2048x512xf32>
    %select_n3A_297 = arith.select %eq3A_292, %broadcast_in_dim3A_295, %broadcast_in_dim3A_296 : vector<2048x512xi1>, vector<2048x512xf32>
    %reduce_sum3A_298 = arith.constant dense<0.000000e+00> : vector<512xf32>
    %reduce_sum3A_299 = vector.multi_reduction <add>, %select_n3A_297, %reduce_sum3A_298 [0] : vector<2048x512xf32> to vector<512xf32>
    %add3A_300 = arith.addf %reduce_sum3A_289, %reduce_sum3A_299 : vector<512xf32>
    %convert_element_type3A_301 = arith.fptosi %add3A_300 : vector<512xf32> to vector<512xi32>
    %swap3A_302 = arith.constant 6 : index
    %swap3A_303 = arith.constant 0 : index
    %swap3A_304 = vector.load %arg3[%swap3A_302, %swap3A_303] : memref<12x512xi32, #tpu.memory_space<vmem>>, vector<1x512xi32>
    %swap3A_305 = vector.shape_cast %swap3A_304 : vector<1x512xi32> to vector<512xi32>
    %swap3A_306 = vector.shape_cast %convert_element_type3A_301 : vector<512xi32> to vector<1x512xi32>
    tpu.vector_store %arg3[%swap3A_302, %swap3A_303], %swap3A_306 {strides = array<i32>} : memref<12x512xi32, #tpu.memory_space<vmem>>, vector<1x512xi32>,
    %iota3A_307 = tpu.iota {dimensions = array<i32: 1>} : vector<1x512xi32>
    %convert_element_type3A_308 = arith.sitofp %iota3A_307 : vector<1x512xi32> to vector<1x512xf32>
    %add3A_309 = arith.constant 3.584000e+03 : f32
    %add3A_310 = vector.broadcast %add3A_309 : f32 to vector<1x512xf32>
    %add3A_311 = arith.addf %convert_element_type3A_308, %add3A_310 : vector<1x512xf32>
    %eq3A_312 = vector.broadcast %broadcast_in_dim3A_69 : vector<2048x1xf32> to vector<2048x512xf32>
    %eq3A_313 = vector.broadcast %add3A_311 : vector<1x512xf32> to vector<2048x512xf32>
    %eq3A_314 = arith.cmpf oeq, %eq3A_312, %eq3A_313 : vector<2048x512xf32>
    %jit3A_315 = arith.constant 0.000000e+00 : f32
    %broadcast_in_dim3A_316 = vector.shape_cast %convert_element_type3A_82 : vector<2048x1xf32> to vector<2048x1xf32>
    %broadcast_in_dim3A_317 = vector.broadcast %broadcast_in_dim3A_316 : vector<2048x1xf32> to vector<2048x512xf32>
    %broadcast_in_dim3A_318 = vector.broadcast %jit3A_315 : f32 to vector<2048x512xf32>
    %select_n3A_319 = arith.select %eq3A_314, %broadcast_in_dim3A_317, %broadcast_in_dim3A_318 : vector<2048x512xi1>, vector<2048x512xf32>
    %reduce_sum3A_320 = arith.constant dense<0.000000e+00> : vector<512xf32>
    %reduce_sum3A_321 = vector.multi_reduction <add>, %select_n3A_319, %reduce_sum3A_320 [0] : vector<2048x512xf32> to vector<512xf32>
    %eq3A_322 = vector.broadcast %broadcast_in_dim3A_73 : vector<2048x1xf32> to vector<2048x512xf32>
    %eq3A_323 = vector.broadcast %add3A_311 : vector<1x512xf32> to vector<2048x512xf32>
    %eq3A_324 = arith.cmpf oeq, %eq3A_322, %eq3A_323 : vector<2048x512xf32>
    %jit3A_325 = arith.constant 0.000000e+00 : f32
    %broadcast_in_dim3A_326 = vector.shape_cast %convert_element_type3A_82 : vector<2048x1xf32> to vector<2048x1xf32>
    %broadcast_in_dim3A_327 = vector.broadcast %broadcast_in_dim3A_326 : vector<2048x1xf32> to vector<2048x512xf32>
    %broadcast_in_dim3A_328 = vector.broadcast %jit3A_325 : f32 to vector<2048x512xf32>
    %select_n3A_329 = arith.select %eq3A_324, %broadcast_in_dim3A_327, %broadcast_in_dim3A_328 : vector<2048x512xi1>, vector<2048x512xf32>
    %reduce_sum3A_330 = arith.constant dense<0.000000e+00> : vector<512xf32>
    %reduce_sum3A_331 = vector.multi_reduction <add>, %select_n3A_329, %reduce_sum3A_330 [0] : vector<2048x512xf32> to vector<512xf32>
    %add3A_332 = arith.addf %reduce_sum3A_321, %reduce_sum3A_331 : vector<512xf32>
    %convert_element_type3A_333 = arith.fptosi %add3A_332 : vector<512xf32> to vector<512xi32>
    %swap3A_334 = arith.constant 7 : index
    %swap3A_335 = arith.constant 0 : index
    %swap3A_336 = vector.load %arg3[%swap3A_334, %swap3A_335] : memref<12x512xi32, #tpu.memory_space<vmem>>, vector<1x512xi32>
    %swap3A_337 = vector.shape_cast %swap3A_336 : vector<1x512xi32> to vector<512xi32>
    %swap3A_338 = vector.shape_cast %convert_element_type3A_333 : vector<512xi32> to vector<1x512xi32>
    tpu.vector_store %arg3[%swap3A_334, %swap3A_335], %swap3A_338 {strides = array<i32>} : memref<12x512xi32, #tpu.memory_space<vmem>>, vector<1x512xi32>,
    %iota3A_339 = tpu.iota {dimensions = array<i32: 1>} : vector<1x512xi32>
    %convert_element_type3A_340 = arith.sitofp %iota3A_339 : vector<1x512xi32> to vector<1x512xf32>
    %add3A_341 = arith.constant 4.096000e+03 : f32
    %add3A_342 = vector.broadcast %add3A_341 : f32 to vector<1x512xf32>
    %add3A_343 = arith.addf %convert_element_type3A_340, %add3A_342 : vector<1x512xf32>
    %eq3A_344 = vector.broadcast %broadcast_in_dim3A_69 : vector<2048x1xf32> to vector<2048x512xf32>
    %eq3A_345 = vector.broadcast %add3A_343 : vector<1x512xf32> to vector<2048x512xf32>
    %eq3A_346 = arith.cmpf oeq, %eq3A_344, %eq3A_345 : vector<2048x512xf32>
    %jit3A_347 = arith.constant 0.000000e+00 : f32
    %broadcast_in_dim3A_348 = vector.shape_cast %convert_element_type3A_82 : vector<2048x1xf32> to vector<2048x1xf32>
    %broadcast_in_dim3A_349 = vector.broadcast %broadcast_in_dim3A_348 : vector<2048x1xf32> to vector<2048x512xf32>
    %broadcast_in_dim3A_350 = vector.broadcast %jit3A_347 : f32 to vector<2048x512xf32>
    %select_n3A_351 = arith.select %eq3A_346, %broadcast_in_dim3A_349, %broadcast_in_dim3A_350 : vector<2048x512xi1>, vector<2048x512xf32>
    %reduce_sum3A_352 = arith.constant dense<0.000000e+00> : vector<512xf32>
    %reduce_sum3A_353 = vector.multi_reduction <add>, %select_n3A_351, %reduce_sum3A_352 [0] : vector<2048x512xf32> to vector<512xf32>
    %eq3A_354 = vector.broadcast %broadcast_in_dim3A_73 : vector<2048x1xf32> to vector<2048x512xf32>
    %eq3A_355 = vector.broadcast %add3A_343 : vector<1x512xf32> to vector<2048x512xf32>
    %eq3A_356 = arith.cmpf oeq, %eq3A_354, %eq3A_355 : vector<2048x512xf32>
    %jit3A_357 = arith.constant 0.000000e+00 : f32
    %broadcast_in_dim3A_358 = vector.shape_cast %convert_element_type3A_82 : vector<2048x1xf32> to vector<2048x1xf32>
    %broadcast_in_dim3A_359 = vector.broadcast %broadcast_in_dim3A_358 : vector<2048x1xf32> to vector<2048x512xf32>
    %broadcast_in_dim3A_360 = vector.broadcast %jit3A_357 : f32 to vector<2048x512xf32>
    %select_n3A_361 = arith.select %eq3A_356, %broadcast_in_dim3A_359, %broadcast_in_dim3A_360 : vector<2048x512xi1>, vector<2048x512xf32>
    %reduce_sum3A_362 = arith.constant dense<0.000000e+00> : vector<512xf32>
    %reduce_sum3A_363 = vector.multi_reduction <add>, %select_n3A_361, %reduce_sum3A_362 [0] : vector<2048x512xf32> to vector<512xf32>
    %add3A_364 = arith.addf %reduce_sum3A_353, %reduce_sum3A_363 : vector<512xf32>
    %convert_element_type3A_365 = arith.fptosi %add3A_364 : vector<512xf32> to vector<512xi32>
    %swap3A_366 = arith.constant 8 : index
    %swap3A_367 = arith.constant 0 : index
    %swap3A_368 = vector.load %arg3[%swap3A_366, %swap3A_367] : memref<12x512xi32, #tpu.memory_space<vmem>>, vector<1x512xi32>
    %swap3A_369 = vector.shape_cast %swap3A_368 : vector<1x512xi32> to vector<512xi32>
    %swap3A_370 = vector.shape_cast %convert_element_type3A_365 : vector<512xi32> to vector<1x512xi32>
    tpu.vector_store %arg3[%swap3A_366, %swap3A_367], %swap3A_370 {strides = array<i32>} : memref<12x512xi32, #tpu.memory_space<vmem>>, vector<1x512xi32>,
    %iota3A_371 = tpu.iota {dimensions = array<i32: 1>} : vector<1x512xi32>
    %convert_element_type3A_372 = arith.sitofp %iota3A_371 : vector<1x512xi32> to vector<1x512xf32>
    %add3A_373 = arith.constant 4.608000e+03 : f32
    %add3A_374 = vector.broadcast %add3A_373 : f32 to vector<1x512xf32>
    %add3A_375 = arith.addf %convert_element_type3A_372, %add3A_374 : vector<1x512xf32>
    %eq3A_376 = vector.broadcast %broadcast_in_dim3A_69 : vector<2048x1xf32> to vector<2048x512xf32>
    %eq3A_377 = vector.broadcast %add3A_375 : vector<1x512xf32> to vector<2048x512xf32>
    %eq3A_378 = arith.cmpf oeq, %eq3A_376, %eq3A_377 : vector<2048x512xf32>
    %jit3A_379 = arith.constant 0.000000e+00 : f32
    %broadcast_in_dim3A_380 = vector.shape_cast %convert_element_type3A_82 : vector<2048x1xf32> to vector<2048x1xf32>
    %broadcast_in_dim3A_381 = vector.broadcast %broadcast_in_dim3A_380 : vector<2048x1xf32> to vector<2048x512xf32>
    %broadcast_in_dim3A_382 = vector.broadcast %jit3A_379 : f32 to vector<2048x512xf32>
    %select_n3A_383 = arith.select %eq3A_378, %broadcast_in_dim3A_381, %broadcast_in_dim3A_382 : vector<2048x512xi1>, vector<2048x512xf32>
    %reduce_sum3A_384 = arith.constant dense<0.000000e+00> : vector<512xf32>
    %reduce_sum3A_385 = vector.multi_reduction <add>, %select_n3A_383, %reduce_sum3A_384 [0] : vector<2048x512xf32> to vector<512xf32>
    %eq3A_386 = vector.broadcast %broadcast_in_dim3A_73 : vector<2048x1xf32> to vector<2048x512xf32>
    %eq3A_387 = vector.broadcast %add3A_375 : vector<1x512xf32> to vector<2048x512xf32>
    %eq3A_388 = arith.cmpf oeq, %eq3A_386, %eq3A_387 : vector<2048x512xf32>
    %jit3A_389 = arith.constant 0.000000e+00 : f32
    %broadcast_in_dim3A_390 = vector.shape_cast %convert_element_type3A_82 : vector<2048x1xf32> to vector<2048x1xf32>
    %broadcast_in_dim3A_391 = vector.broadcast %broadcast_in_dim3A_390 : vector<2048x1xf32> to vector<2048x512xf32>
    %broadcast_in_dim3A_392 = vector.broadcast %jit3A_389 : f32 to vector<2048x512xf32>
    %select_n3A_393 = arith.select %eq3A_388, %broadcast_in_dim3A_391, %broadcast_in_dim3A_392 : vector<2048x512xi1>, vector<2048x512xf32>
    %reduce_sum3A_394 = arith.constant dense<0.000000e+00> : vector<512xf32>
    %reduce_sum3A_395 = vector.multi_reduction <add>, %select_n3A_393, %reduce_sum3A_394 [0] : vector<2048x512xf32> to vector<512xf32>
    %add3A_396 = arith.addf %reduce_sum3A_385, %reduce_sum3A_395 : vector<512xf32>
    %convert_element_type3A_397 = arith.fptosi %add3A_396 : vector<512xf32> to vector<512xi32>
    %swap3A_398 = arith.constant 9 : index
    %swap3A_399 = arith.constant 0 : index
    %swap3A_400 = vector.load %arg3[%swap3A_398, %swap3A_399] : memref<12x512xi32, #tpu.memory_space<vmem>>, vector<1x512xi32>
    %swap3A_401 = vector.shape_cast %swap3A_400 : vector<1x512xi32> to vector<512xi32>
    %swap3A_402 = vector.shape_cast %convert_element_type3A_397 : vector<512xi32> to vector<1x512xi32>
    tpu.vector_store %arg3[%swap3A_398, %swap3A_399], %swap3A_402 {strides = array<i32>} : memref<12x512xi32, #tpu.memory_space<vmem>>, vector<1x512xi32>,
    %iota3A_403 = tpu.iota {dimensions = array<i32: 1>} : vector<1x512xi32>
    %convert_element_type3A_404 = arith.sitofp %iota3A_403 : vector<1x512xi32> to vector<1x512xf32>
    %add3A_405 = arith.constant 5.120000e+03 : f32
    %add3A_406 = vector.broadcast %add3A_405 : f32 to vector<1x512xf32>
    %add3A_407 = arith.addf %convert_element_type3A_404, %add3A_406 : vector<1x512xf32>
    %eq3A_408 = vector.broadcast %broadcast_in_dim3A_69 : vector<2048x1xf32> to vector<2048x512xf32>
    %eq3A_409 = vector.broadcast %add3A_407 : vector<1x512xf32> to vector<2048x512xf32>
    %eq3A_410 = arith.cmpf oeq, %eq3A_408, %eq3A_409 : vector<2048x512xf32>
    %jit3A_411 = arith.constant 0.000000e+00 : f32
    %broadcast_in_dim3A_412 = vector.shape_cast %convert_element_type3A_82 : vector<2048x1xf32> to vector<2048x1xf32>
    %broadcast_in_dim3A_413 = vector.broadcast %broadcast_in_dim3A_412 : vector<2048x1xf32> to vector<2048x512xf32>
    %broadcast_in_dim3A_414 = vector.broadcast %jit3A_411 : f32 to vector<2048x512xf32>
    %select_n3A_415 = arith.select %eq3A_410, %broadcast_in_dim3A_413, %broadcast_in_dim3A_414 : vector<2048x512xi1>, vector<2048x512xf32>
    %reduce_sum3A_416 = arith.constant dense<0.000000e+00> : vector<512xf32>
    %reduce_sum3A_417 = vector.multi_reduction <add>, %select_n3A_415, %reduce_sum3A_416 [0] : vector<2048x512xf32> to vector<512xf32>
    %eq3A_418 = vector.broadcast %broadcast_in_dim3A_73 : vector<2048x1xf32> to vector<2048x512xf32>
    %eq3A_419 = vector.broadcast %add3A_407 : vector<1x512xf32> to vector<2048x512xf32>
    %eq3A_420 = arith.cmpf oeq, %eq3A_418, %eq3A_419 : vector<2048x512xf32>
    %jit3A_421 = arith.constant 0.000000e+00 : f32
    %broadcast_in_dim3A_422 = vector.shape_cast %convert_element_type3A_82 : vector<2048x1xf32> to vector<2048x1xf32>
    %broadcast_in_dim3A_423 = vector.broadcast %broadcast_in_dim3A_422 : vector<2048x1xf32> to vector<2048x512xf32>
    %broadcast_in_dim3A_424 = vector.broadcast %jit3A_421 : f32 to vector<2048x512xf32>
    %select_n3A_425 = arith.select %eq3A_420, %broadcast_in_dim3A_423, %broadcast_in_dim3A_424 : vector<2048x512xi1>, vector<2048x512xf32>
    %reduce_sum3A_426 = arith.constant dense<0.000000e+00> : vector<512xf32>
    %reduce_sum3A_427 = vector.multi_reduction <add>, %select_n3A_425, %reduce_sum3A_426 [0] : vector<2048x512xf32> to vector<512xf32>
    %add3A_428 = arith.addf %reduce_sum3A_417, %reduce_sum3A_427 : vector<512xf32>
    %convert_element_type3A_429 = arith.fptosi %add3A_428 : vector<512xf32> to vector<512xi32>
    %swap3A_430 = arith.constant 10 : index
    %swap3A_431 = arith.constant 0 : index
    %swap3A_432 = vector.load %arg3[%swap3A_430, %swap3A_431] : memref<12x512xi32, #tpu.memory_space<vmem>>, vector<1x512xi32>
    %swap3A_433 = vector.shape_cast %swap3A_432 : vector<1x512xi32> to vector<512xi32>
    %swap3A_434 = vector.shape_cast %convert_element_type3A_429 : vector<512xi32> to vector<1x512xi32>
    tpu.vector_store %arg3[%swap3A_430, %swap3A_431], %swap3A_434 {strides = array<i32>} : memref<12x512xi32, #tpu.memory_space<vmem>>, vector<1x512xi32>,
    %iota3A_435 = tpu.iota {dimensions = array<i32: 1>} : vector<1x512xi32>
    %convert_element_type3A_436 = arith.sitofp %iota3A_435 : vector<1x512xi32> to vector<1x512xf32>
    %add3A_437 = arith.constant 5.632000e+03 : f32
    %add3A_438 = vector.broadcast %add3A_437 : f32 to vector<1x512xf32>
    %add3A_439 = arith.addf %convert_element_type3A_436, %add3A_438 : vector<1x512xf32>
    %eq3A_440 = vector.broadcast %broadcast_in_dim3A_69 : vector<2048x1xf32> to vector<2048x512xf32>
    %eq3A_441 = vector.broadcast %add3A_439 : vector<1x512xf32> to vector<2048x512xf32>
    %eq3A_442 = arith.cmpf oeq, %eq3A_440, %eq3A_441 : vector<2048x512xf32>
    %jit3A_443 = arith.constant 0.000000e+00 : f32
    %broadcast_in_dim3A_444 = vector.shape_cast %convert_element_type3A_82 : vector<2048x1xf32> to vector<2048x1xf32>
    %broadcast_in_dim3A_445 = vector.broadcast %broadcast_in_dim3A_444 : vector<2048x1xf32> to vector<2048x512xf32>
    %broadcast_in_dim3A_446 = vector.broadcast %jit3A_443 : f32 to vector<2048x512xf32>
    %select_n3A_447 = arith.select %eq3A_442, %broadcast_in_dim3A_445, %broadcast_in_dim3A_446 : vector<2048x512xi1>, vector<2048x512xf32>
    %reduce_sum3A_448 = arith.constant dense<0.000000e+00> : vector<512xf32>
    %reduce_sum3A_449 = vector.multi_reduction <add>, %select_n3A_447, %reduce_sum3A_448 [0] : vector<2048x512xf32> to vector<512xf32>
    %eq3A_450 = vector.broadcast %broadcast_in_dim3A_73 : vector<2048x1xf32> to vector<2048x512xf32>
    %eq3A_451 = vector.broadcast %add3A_439 : vector<1x512xf32> to vector<2048x512xf32>
    %eq3A_452 = arith.cmpf oeq, %eq3A_450, %eq3A_451 : vector<2048x512xf32>
    %jit3A_453 = arith.constant 0.000000e+00 : f32
    %broadcast_in_dim3A_454 = vector.shape_cast %convert_element_type3A_82 : vector<2048x1xf32> to vector<2048x1xf32>
    %broadcast_in_dim3A_455 = vector.broadcast %broadcast_in_dim3A_454 : vector<2048x1xf32> to vector<2048x512xf32>
    %broadcast_in_dim3A_456 = vector.broadcast %jit3A_453 : f32 to vector<2048x512xf32>
    %select_n3A_457 = arith.select %eq3A_452, %broadcast_in_dim3A_455, %broadcast_in_dim3A_456 : vector<2048x512xi1>, vector<2048x512xf32>
    %reduce_sum3A_458 = arith.constant dense<0.000000e+00> : vector<512xf32>
    %reduce_sum3A_459 = vector.multi_reduction <add>, %select_n3A_457, %reduce_sum3A_458 [0] : vector<2048x512xf32> to vector<512xf32>
    %add3A_460 = arith.addf %reduce_sum3A_449, %reduce_sum3A_459 : vector<512xf32>
    %convert_element_type3A_461 = arith.fptosi %add3A_460 : vector<512xf32> to vector<512xi32>
    %swap3A_462 = arith.constant 11 : index
    %swap3A_463 = arith.constant 0 : index
    %swap3A_464 = vector.load %arg3[%swap3A_462, %swap3A_463] : memref<12x512xi32, #tpu.memory_space<vmem>>, vector<1x512xi32>
    %swap3A_465 = vector.shape_cast %swap3A_464 : vector<1x512xi32> to vector<512xi32>
    %swap3A_466 = vector.shape_cast %convert_element_type3A_461 : vector<512xi32> to vector<1x512xi32>
    tpu.vector_store %arg3[%swap3A_462, %swap3A_463], %swap3A_466 {strides = array<i32>} : memref<12x512xi32, #tpu.memory_space<vmem>>, vector<1x512xi32>,
    %iota3A_467 = tpu.iota {dimensions = array<i32: 0>} : vector<24x1xi32>
    %convert_element_type3A_468 = arith.sitofp %iota3A_467 : vector<24x1xi32> to vector<24x1xf32>
    %mul3A_469 = arith.constant 2.560000e+02 : f32
    %mul3A_470 = vector.broadcast %mul3A_469 : f32 to vector<24x1xf32>
    %mul3A_471 = arith.mulf %convert_element_type3A_468, %mul3A_470 : vector<24x1xf32>
    %broadcast_in_dim3A_472 = vector.shape_cast %dot_general3A_63 : vector<1x8xf32> to vector<1x8xf32>
    %broadcast_in_dim3A_473 = vector.broadcast %broadcast_in_dim3A_472 : vector<1x8xf32> to vector<24x8xf32>
    %broadcast_in_dim3A_474 = vector.shape_cast %mul3A_56 : vector<1x8xf32> to vector<1x8xf32>
    %broadcast_in_dim3A_475 = vector.broadcast %broadcast_in_dim3A_474 : vector<1x8xf32> to vector<24x8xf32>
    %ge3A = vector.broadcast %mul3A_471 : vector<24x1xf32> to vector<24x8xf32>
    %ge3A_476 = arith.cmpf oge, %ge3A, %broadcast_in_dim3A_473 : vector<24x8xf32>
    %add3A_477 = arith.addf %broadcast_in_dim3A_473, %broadcast_in_dim3A_475 : vector<24x8xf32>
    %lt3A_478 = vector.broadcast %mul3A_471 : vector<24x1xf32> to vector<24x8xf32>
    %lt3A_479 = arith.cmpf olt, %lt3A_478, %add3A_477 : vector<24x8xf32>
    %and3A = arith.andi %ge3A_476, %lt3A_479 : vector<24x8xi1>
    %convert_element_type3A_480 = arith.extui %and3A : vector<24x8xi1> to vector<24x8xi32>
    %convert_element_type3A_481 = arith.sitofp %convert_element_type3A_480 : vector<24x8xi32> to vector<24x8xf32>
    %iota3A_482 = tpu.iota {dimensions = array<i32: 1>} : vector<24x8xi32>
    %convert_element_type3A_483 = arith.sitofp %iota3A_482 : vector<24x8xi32> to vector<24x8xf32>
    %mul3A_484 = arith.mulf %convert_element_type3A_481, %convert_element_type3A_483 : vector<24x8xf32>
    %reduce_sum3A_485 = arith.constant dense<0.000000e+00> : vector<24xf32>
    %reduce_sum3A_486 = vector.multi_reduction <add>, %mul3A_484, %reduce_sum3A_485 [1] : vector<24x8xf32> to vector<24xf32>
    %broadcast_in_dim3A_487 = vector.shape_cast %reduce_sum3A_486 : vector<24xf32> to vector<24x1xf32>
    %convert_element_type3A_488 = arith.fptosi %broadcast_in_dim3A_487 : vector<24x1xf32> to vector<24x1xi32>
    %swap3A_489 = arith.constant 0 : index
    %swap3A_490 = arith.constant 0 : index
    %swap3A_491 = vector.load %arg4[%swap3A_489, %swap3A_490] : memref<24x1xi32, #tpu.memory_space<vmem>>, vector<24x1xi32>
    tpu.vector_store %arg4[%swap3A_489, %swap3A_490], %convert_element_type3A_488 {strides = array<i32>} : memref<24x1xi32, #tpu.memory_space<vmem>>, vector<24x1xi32>,
    %div3A_492 = arith.constant 2.560000e+02 : f32
    %div3A_493 = vector.broadcast %div3A_492 : f32 to vector<1x8xf32>
    %div3A_494 = arith.divf %mul3A_56, %div3A_493 : vector<1x8xf32>
    %reduce_sum3A_495 = arith.constant dense<0.000000e+00> : vector<1xf32>
    %reduce_sum3A_496 = vector.multi_reduction <add>, %div3A_494, %reduce_sum3A_495 [1] : vector<1x8xf32> to vector<1xf32>
    %broadcast_in_dim3A_497 = vector.shape_cast %reduce_sum3A_496 : vector<1xf32> to vector<1x1xf32>
    %convert_element_type3A_498 = arith.fptosi %broadcast_in_dim3A_497 : vector<1x1xf32> to vector<1x1xi32>
    %swap3A_499 = arith.constant 0 : index
    %swap3A_500 = arith.constant 0 : index
    %swap3A_501 = vector.load %arg5[%swap3A_499, %swap3A_500] : memref<1x1xi32, #tpu.memory_space<vmem>>, vector<1x1xi32>
    tpu.vector_store %arg5[%swap3A_499, %swap3A_500], %convert_element_type3A_498 {strides = array<i32>} : memref<1x1xi32, #tpu.memory_space<vmem>>, vector<1x1xi32>,
    %reduce_sum3A_502 = arith.constant dense<0.000000e+00> : vector<8xf32>
    %reduce_sum3A_503 = vector.multi_reduction <add>, %div3A_6, %reduce_sum3A_502 [0] : vector<2048x8xf32> to vector<8xf32>
    %broadcast_in_dim3A_504 = vector.shape_cast %reduce_sum3A_503 : vector<8xf32> to vector<1x8xf32>
    %div3A_505 = arith.constant 2.048000e+03 : f32
    %div3A_506 = vector.broadcast %div3A_505 : f32 to vector<1x8xf32>
    %div3A_507 = arith.divf %broadcast_in_dim3A_504, %div3A_506 : vector<1x8xf32>
    %reduce_sum3A_508 = arith.constant dense<0.000000e+00> : vector<8xf32>
    %reduce_sum3A_509 = vector.multi_reduction <add>, %convert_element_type3A_17, %reduce_sum3A_508 [0] : vector<2048x8xf32> to vector<8xf32>
    %broadcast_in_dim3A_510 = vector.shape_cast %reduce_sum3A_509 : vector<8xf32> to vector<1x8xf32>
    %div3A_511 = arith.constant 2.048000e+03 : f32
    %div3A_512 = vector.broadcast %div3A_511 : f32 to vector<1x8xf32>
    %div3A_513 = arith.divf %broadcast_in_dim3A_510, %div3A_512 : vector<1x8xf32>
    %mul3A_514 = arith.mulf %div3A_507, %div3A_513 : vector<1x8xf32>
    %reduce_sum3A_515 = arith.constant dense<0.000000e+00> : vector<1xf32>
    %reduce_sum3A_516 = vector.multi_reduction <add>, %mul3A_514, %reduce_sum3A_515 [1] : vector<1x8xf32> to vector<1xf32>
    %broadcast_in_dim3A_517 = vector.shape_cast %reduce_sum3A_516 : vector<1xf32> to vector<1x1xf32>
    %mul3A_518 = arith.constant 8.000000e-02 : f32
    %mul3A_519 = vector.broadcast %mul3A_518 : f32 to vector<1x1xf32>
    %mul3A_520 = arith.mulf %broadcast_in_dim3A_517, %mul3A_519 : vector<1x1xf32>
    %swap3A_521 = arith.constant 0 : index
    %swap3A_522 = arith.constant 0 : index
    %swap3A_523 = vector.load %arg6[%swap3A_521, %swap3A_522] : memref<1x1xf32, #tpu.memory_space<vmem>>, vector<1x1xf32>
    tpu.vector_store %arg6[%swap3A_521, %swap3A_522], %mul3A_520 {strides = array<i32>} : memref<1x1xf32, #tpu.memory_space<vmem>>, vector<1x1xf32>,
    return
  }
}

module attributes {stable_mosaic.version = 14 : i64} {
  func.func @_ffn_body(%arg0: i32, %arg1: i32, %arg2: memref<24x1xi32, #tpu.memory_space<smem>>, %arg3: memref<1xi32, #tpu.memory_space<smem>>, %arg4: memref<256x1024xf32, #tpu.memory_space<vmem>>, %arg5: memref<1x1024x1024xf32, #tpu.memory_space<vmem>>, %arg6: memref<1x1x1024xf32, #tpu.memory_space<vmem>>, %arg7: memref<1x1024x1024xf32, #tpu.memory_space<vmem>>, %arg8: memref<1x1x1024xf32, #tpu.memory_space<vmem>>, %arg9: memref<256x1024xf32, #tpu.memory_space<vmem>>, %arg10: memref<256x1024xf32, #tpu.memory_space<vmem>>) attributes {dimension_semantics = [#tpu.dimension_semantics<arbitrary>, #tpu.dimension_semantics<arbitrary>], iteration_bounds = array<i64: 24, 4>, scalar_prefetch = 2 : i64, scratch_operands = 1 : i64, tpu.core_type = #tpu.core_type<tc>, window_params = [{transform_indices = @transform_0, window_bounds = array<i64: 256, 1024>}, {transform_indices = @transform_1, window_bounds = array<i64: 1, 1024, 1024>}, {transform_indices = @transform_2, window_bounds = array<i64: 1, 1, 1024>}, {transform_indices = @transform_3, window_bounds = array<i64: 1, 1024, 1024>}, {transform_indices = @transform_4, window_bounds = array<i64: 1, 1, 1024>}, {transform_indices = @transform_5, window_bounds = array<i64: 256, 1024>}]} {
    %get3A = arith.constant 0 : index
    %get3A_0 = memref.load %arg3[%get3A] : memref<1xi32, #tpu.memory_space<smem>>
    %lt3A = arith.cmpi slt, %arg0, %get3A_0 : i32
    %convert_element_type3A = arith.extui %lt3A : i1 to i32
    %cond3A = arith.constant 0 : i32
    %cond3A_1 = arith.cmpi ne, %convert_element_type3A, %cond3A : i32
    scf.if %cond3A_1 {
      %get3A_2 = arith.constant 0 : index
      %get3A_3 = arith.constant 0 : index
      %get3A_4 = vector.load %arg4[%get3A_2, %get3A_3] : memref<256x1024xf32, #tpu.memory_space<vmem>>, vector<256x1024xf32>
      %get3A_5 = arith.constant 0 : index
      %get3A_6 = arith.constant 0 : index
      %get3A_7 = arith.constant 0 : index
      %get3A_8 = vector.load %arg5[%get3A_5, %get3A_6, %get3A_7] : memref<1x1024x1024xf32, #tpu.memory_space<vmem>>, vector<1x1024x1024xf32>
      %get3A_9 = vector.shape_cast %get3A_8 : vector<1x1024x1024xf32> to vector<1024x1024xf32>
      %dot_general3A = arith.constant dense<0.000000e+00> : vector<256x1024xf32>
      %dot_general3A_10 = tpu.matmul %get3A_4, %get3A_9, %dot_general3A {dimension_numbers = #tpu.dot_dimension_numbers<[1], [0], [0], [1], [0, 0, 1, 1], [], []>, transpose_lhs_hint = false} : vector<256x1024xf32>, vector<1024x1024xf32>, vector<256x1024xf32> -> vector<256x1024xf32>
      %get3A_11 = arith.constant 0 : index
      %get3A_12 = arith.constant 0 : index
      %get3A_13 = arith.constant 0 : index
      %get3A_14 = vector.load %arg6[%get3A_11, %get3A_12, %get3A_13] : memref<1x1x1024xf32, #tpu.memory_space<vmem>>, vector<1x1x1024xf32>
      %get3A_15 = vector.shape_cast %get3A_14 : vector<1x1x1024xf32> to vector<1x1024xf32>
      %add3A = vector.broadcast %get3A_15 : vector<1x1024xf32> to vector<256x1024xf32>
      %add3A_16 = arith.addf %dot_general3A_10, %add3A : vector<256x1024xf32>
      %mul3A = arith.constant 5.000000e-01 : f32
      %mul3A_17 = vector.broadcast %mul3A : f32 to vector<256x1024xf32>
      %mul3A_18 = arith.mulf %mul3A_17, %add3A_16 : vector<256x1024xf32>
      %mul3A_19 = arith.constant 0.707106769 : f32
      %mul3A_20 = vector.broadcast %mul3A_19 : f32 to vector<256x1024xf32>
      %mul3A_21 = arith.mulf %add3A_16, %mul3A_20 : vector<256x1024xf32>
      %erf3A = math.erf %mul3A_21 : vector<256x1024xf32>
      %add3A_22 = arith.constant 1.000000e+00 : f32
      %add3A_23 = vector.broadcast %add3A_22 : f32 to vector<256x1024xf32>
      %add3A_24 = arith.addf %add3A_23, %erf3A : vector<256x1024xf32>
      %mul3A_25 = arith.mulf %mul3A_18, %add3A_24 : vector<256x1024xf32>
      %get3A_26 = arith.constant 0 : index
      %get3A_27 = arith.constant 0 : index
      %get3A_28 = arith.constant 0 : index
      %get3A_29 = vector.load %arg7[%get3A_26, %get3A_27, %get3A_28] : memref<1x1024x1024xf32, #tpu.memory_space<vmem>>, vector<1x1024x1024xf32>
      %get3A_30 = vector.shape_cast %get3A_29 : vector<1x1024x1024xf32> to vector<1024x1024xf32>
      %dot_general3A_31 = arith.constant dense<0.000000e+00> : vector<256x1024xf32>
      %dot_general3A_32 = tpu.matmul %mul3A_25, %get3A_30, %dot_general3A_31 {dimension_numbers = #tpu.dot_dimension_numbers<[1], [0], [0], [1], [0, 0, 1, 1], [], []>, transpose_lhs_hint = false} : vector<256x1024xf32>, vector<1024x1024xf32>, vector<256x1024xf32> -> vector<256x1024xf32>
      %eq3A = arith.constant 0 : i32
      %eq3A_33 = arith.cmpi eq, %arg1, %eq3A : i32
      %convert_element_type3A_34 = arith.extui %eq3A_33 : i1 to i32
      %cond3A_35 = arith.constant 0 : i32
      %cond3A_36 = arith.cmpi ne, %convert_element_type3A_34, %cond3A_35 : i32
      scf.if %cond3A_36 {
        %swap3A = arith.constant 0 : index
        %swap3A_46 = arith.constant 0 : index
        %swap3A_47 = vector.load %arg10[%swap3A, %swap3A_46] : memref<256x1024xf32, #tpu.memory_space<vmem>>, vector<256x1024xf32>
        tpu.vector_store %arg10[%swap3A, %swap3A_46], %dot_general3A_32 {strides = array<i32>} : memref<256x1024xf32, #tpu.memory_space<vmem>>, vector<256x1024xf32>,
      } else {
      }
      %gt3A = arith.constant 0 : i32
      %gt3A_37 = arith.cmpi sgt, %arg1, %gt3A : i32
      %convert_element_type3A_38 = arith.extui %gt3A_37 : i1 to i32
      %cond3A_39 = arith.constant 0 : i32
      %cond3A_40 = arith.cmpi ne, %convert_element_type3A_38, %cond3A_39 : i32
      scf.if %cond3A_40 {
        %get3A_46 = arith.constant 0 : index
        %get3A_47 = arith.constant 0 : index
        %get3A_48 = vector.load %arg10[%get3A_46, %get3A_47] : memref<256x1024xf32, #tpu.memory_space<vmem>>, vector<256x1024xf32>
        %add3A_49 = arith.addf %get3A_48, %dot_general3A_32 : vector<256x1024xf32>
        %swap3A = arith.constant 0 : index
        %swap3A_50 = arith.constant 0 : index
        %swap3A_51 = vector.load %arg10[%swap3A, %swap3A_50] : memref<256x1024xf32, #tpu.memory_space<vmem>>, vector<256x1024xf32>
        tpu.vector_store %arg10[%swap3A, %swap3A_50], %add3A_49 {strides = array<i32>} : memref<256x1024xf32, #tpu.memory_space<vmem>>, vector<256x1024xf32>,
      } else {
      }
      %eq3A_41 = arith.constant 3 : i32
      %eq3A_42 = arith.cmpi eq, %arg1, %eq3A_41 : i32
      %convert_element_type3A_43 = arith.extui %eq3A_42 : i1 to i32
      %cond3A_44 = arith.constant 0 : i32
      %cond3A_45 = arith.cmpi ne, %convert_element_type3A_43, %cond3A_44 : i32
      scf.if %cond3A_45 {
        %get3A_46 = arith.constant 0 : index
        %get3A_47 = arith.constant 0 : index
        %get3A_48 = vector.load %arg10[%get3A_46, %get3A_47] : memref<256x1024xf32, #tpu.memory_space<vmem>>, vector<256x1024xf32>
        %get3A_49 = arith.constant 0 : index
        %get3A_50 = arith.constant 0 : index
        %get3A_51 = arith.constant 0 : index
        %get3A_52 = vector.load %arg8[%get3A_49, %get3A_50, %get3A_51] : memref<1x1x1024xf32, #tpu.memory_space<vmem>>, vector<1x1x1024xf32>
        %get3A_53 = vector.shape_cast %get3A_52 : vector<1x1x1024xf32> to vector<1x1024xf32>
        %add3A_54 = vector.broadcast %get3A_53 : vector<1x1024xf32> to vector<256x1024xf32>
        %add3A_55 = arith.addf %get3A_48, %add3A_54 : vector<256x1024xf32>
        %swap3A = arith.constant 0 : index
        %swap3A_56 = arith.constant 0 : index
        %swap3A_57 = vector.load %arg9[%swap3A, %swap3A_56] : memref<256x1024xf32, #tpu.memory_space<vmem>>, vector<256x1024xf32>
        tpu.vector_store %arg9[%swap3A, %swap3A_56], %add3A_55 {strides = array<i32>} : memref<256x1024xf32, #tpu.memory_space<vmem>>, vector<256x1024xf32>,
      } else {
      }
    } else {
    }
    return
  }
  func.func @transform_0(%arg0: i32, %arg1: i32, %arg2: memref<24x1xi32, #tpu.memory_space<smem>>, %arg3: memref<1xi32, #tpu.memory_space<smem>>) -> (i32, i32) {
    %c0_i32 = arith.constant 0 : i32
    %c0_i32_0 = arith.constant 0 : i32
    return %arg0, %c0_i32 : i32, i32
  }
  func.func @transform_1(%arg0: i32, %arg1: i32, %arg2: memref<24x1xi32, #tpu.memory_space<smem>>, %arg3: memref<1xi32, #tpu.memory_space<smem>>) -> (i32, i32, i32) {
    %get3A = arith.index_cast %arg0 : i32 to index
    %get3A_0 = arith.constant 0 : index
    %get3A_1 = memref.load %arg2[%get3A, %get3A_0] : memref<24x1xi32, #tpu.memory_space<smem>>
    %c0_i32 = arith.constant 0 : i32
    %c0_i32_2 = arith.constant 0 : i32
    return %get3A_1, %c0_i32, %arg1 : i32, i32, i32
  }
  func.func @transform_2(%arg0: i32, %arg1: i32, %arg2: memref<24x1xi32, #tpu.memory_space<smem>>, %arg3: memref<1xi32, #tpu.memory_space<smem>>) -> (i32, i32, i32) {
    %get3A = arith.index_cast %arg0 : i32 to index
    %get3A_0 = arith.constant 0 : index
    %get3A_1 = memref.load %arg2[%get3A, %get3A_0] : memref<24x1xi32, #tpu.memory_space<smem>>
    %c0_i32 = arith.constant 0 : i32
    %c0_i32_2 = arith.constant 0 : i32
    return %get3A_1, %c0_i32, %arg1 : i32, i32, i32
  }
  func.func @transform_3(%arg0: i32, %arg1: i32, %arg2: memref<24x1xi32, #tpu.memory_space<smem>>, %arg3: memref<1xi32, #tpu.memory_space<smem>>) -> (i32, i32, i32) {
    %get3A = arith.index_cast %arg0 : i32 to index
    %get3A_0 = arith.constant 0 : index
    %get3A_1 = memref.load %arg2[%get3A, %get3A_0] : memref<24x1xi32, #tpu.memory_space<smem>>
    %c0_i32 = arith.constant 0 : i32
    %c0_i32_2 = arith.constant 0 : i32
    return %get3A_1, %arg1, %c0_i32 : i32, i32, i32
  }
  func.func @transform_4(%arg0: i32, %arg1: i32, %arg2: memref<24x1xi32, #tpu.memory_space<smem>>, %arg3: memref<1xi32, #tpu.memory_space<smem>>) -> (i32, i32, i32) {
    %get3A = arith.index_cast %arg0 : i32 to index
    %get3A_0 = arith.constant 0 : index
    %get3A_1 = memref.load %arg2[%get3A, %get3A_0] : memref<24x1xi32, #tpu.memory_space<smem>>
    %c0_i32 = arith.constant 0 : i32
    %c0_i32_2 = arith.constant 0 : i32
    %c0_i32_3 = arith.constant 0 : i32
    return %get3A_1, %c0_i32, %c0_i32_2 : i32, i32, i32
  }
  func.func @transform_5(%arg0: i32, %arg1: i32, %arg2: memref<24x1xi32, #tpu.memory_space<smem>>, %arg3: memref<1xi32, #tpu.memory_space<smem>>) -> (i32, i32) {
    %c0_i32 = arith.constant 0 : i32
    %c0_i32_0 = arith.constant 0 : i32
    return %arg0, %c0_i32 : i32, i32
  }
}

module attributes {stable_mosaic.version = 14 : i64} {
  func.func @_combine_body(%arg0: i32, %arg1: memref<256x1024xf32, #tpu.memory_space<vmem>>, %arg2: memref<256x1024xf32, #tpu.memory_space<vmem>>, %arg3: memref<256x2xf32, #tpu.memory_space<vmem>>, %arg4: memref<1x1024xf32, #tpu.memory_space<vmem>>, %arg5: memref<1x1024xf32, #tpu.memory_space<vmem>>, %arg6: memref<1x1024xf32, #tpu.memory_space<vmem>>, %arg7: memref<1x1024xf32, #tpu.memory_space<vmem>>, %arg8: memref<256x1024xf32, #tpu.memory_space<vmem>>) attributes {dimension_semantics = [#tpu.dimension_semantics<arbitrary>], iteration_bounds = array<i64: 8>, scalar_prefetch = 0 : i64, scratch_operands = 0 : i64, tpu.core_type = #tpu.core_type<tc>, window_params = [{transform_indices = @transform_0, window_bounds = array<i64: 256, 1024>}, {transform_indices = @transform_1, window_bounds = array<i64: 256, 1024>}, {transform_indices = @transform_2, window_bounds = array<i64: 256, 2>}, {pipeline_mode = #tpu.pipeline_mode<synchronous>, transform_indices = @transform_3, window_bounds = array<i64: 1, 1024>}, {pipeline_mode = #tpu.pipeline_mode<synchronous>, transform_indices = @transform_4, window_bounds = array<i64: 1, 1024>}, {pipeline_mode = #tpu.pipeline_mode<synchronous>, transform_indices = @transform_5, window_bounds = array<i64: 1, 1024>}, {pipeline_mode = #tpu.pipeline_mode<synchronous>, transform_indices = @transform_6, window_bounds = array<i64: 1, 1024>}, {transform_indices = @transform_7, window_bounds = array<i64: 256, 1024>}]} {
    %get3A = arith.constant 0 : index
    %get3A_0 = arith.constant 0 : index
    %get3A_1 = vector.load %arg3[%get3A, %get3A_0] : memref<256x2xf32, #tpu.memory_space<vmem>>, vector<256x1xf32>
    %get3A_2 = arith.constant 0 : index
    %get3A_3 = arith.constant 0 : index
    %get3A_4 = vector.load %arg1[%get3A_2, %get3A_3] : memref<256x1024xf32, #tpu.memory_space<vmem>>, vector<256x1024xf32>
    %mul3A = vector.broadcast %get3A_1 : vector<256x1xf32> to vector<256x1024xf32>
    %mul3A_5 = arith.mulf %mul3A, %get3A_4 : vector<256x1024xf32>
    %get3A_6 = arith.constant 0 : index
    %get3A_7 = arith.constant 1 : index
    %get3A_8 = vector.load %arg3[%get3A_6, %get3A_7] : memref<256x2xf32, #tpu.memory_space<vmem>>, vector<256x1xf32>
    %get3A_9 = arith.constant 0 : index
    %get3A_10 = arith.constant 0 : index
    %get3A_11 = vector.load %arg2[%get3A_9, %get3A_10] : memref<256x1024xf32, #tpu.memory_space<vmem>>, vector<256x1024xf32>
    %mul3A_12 = vector.broadcast %get3A_8 : vector<256x1xf32> to vector<256x1024xf32>
    %mul3A_13 = arith.mulf %mul3A_12, %get3A_11 : vector<256x1024xf32>
    %add3A = arith.addf %mul3A_5, %mul3A_13 : vector<256x1024xf32>
    %reduce_sum3A = arith.constant dense<0.000000e+00> : vector<256xf32>
    %reduce_sum3A_14 = vector.multi_reduction <add>, %add3A, %reduce_sum3A [1] : vector<256x1024xf32> to vector<256xf32>
    %broadcast_in_dim3A = vector.shape_cast %reduce_sum3A_14 : vector<256xf32> to vector<256x1xf32>
    %div3A = arith.constant 1.024000e+03 : f32
    %div3A_15 = vector.broadcast %div3A : f32 to vector<256x1xf32>
    %div3A_16 = arith.divf %broadcast_in_dim3A, %div3A_15 : vector<256x1xf32>
    %sub3A = vector.broadcast %div3A_16 : vector<256x1xf32> to vector<256x1024xf32>
    %sub3A_17 = arith.subf %add3A, %sub3A : vector<256x1024xf32>
    %integer_pow3A = arith.mulf %sub3A_17, %sub3A_17 : vector<256x1024xf32>
    %reduce_sum3A_18 = arith.constant dense<0.000000e+00> : vector<256xf32>
    %reduce_sum3A_19 = vector.multi_reduction <add>, %integer_pow3A, %reduce_sum3A_18 [1] : vector<256x1024xf32> to vector<256xf32>
    %broadcast_in_dim3A_20 = vector.shape_cast %reduce_sum3A_19 : vector<256xf32> to vector<256x1xf32>
    %div3A_21 = arith.constant 1.024000e+03 : f32
    %div3A_22 = vector.broadcast %div3A_21 : f32 to vector<256x1xf32>
    %div3A_23 = arith.divf %broadcast_in_dim3A_20, %div3A_22 : vector<256x1xf32>
    %sub3A_24 = vector.broadcast %div3A_16 : vector<256x1xf32> to vector<256x1024xf32>
    %sub3A_25 = arith.subf %add3A, %sub3A_24 : vector<256x1024xf32>
    %add3A_26 = arith.constant 9.99999974E-6 : f32
    %add3A_27 = vector.broadcast %add3A_26 : f32 to vector<256x1xf32>
    %add3A_28 = arith.addf %div3A_23, %add3A_27 : vector<256x1xf32>
    %sqrt3A = math.sqrt %add3A_28 : vector<256x1xf32>
    %div3A_29 = vector.broadcast %sqrt3A : vector<256x1xf32> to vector<256x1024xf32>
    %div3A_30 = arith.divf %sub3A_25, %div3A_29 : vector<256x1024xf32>
    %get3A_31 = arith.constant 0 : index
    %get3A_32 = arith.constant 0 : index
    %get3A_33 = vector.load %arg4[%get3A_31, %get3A_32] : memref<1x1024xf32, #tpu.memory_space<vmem>>, vector<1x1024xf32>
    %mul3A_34 = vector.broadcast %get3A_33 : vector<1x1024xf32> to vector<256x1024xf32>
    %mul3A_35 = arith.mulf %div3A_30, %mul3A_34 : vector<256x1024xf32>
    %get3A_36 = arith.constant 0 : index
    %get3A_37 = arith.constant 0 : index
    %get3A_38 = vector.load %arg5[%get3A_36, %get3A_37] : memref<1x1024xf32, #tpu.memory_space<vmem>>, vector<1x1024xf32>
    %add3A_39 = vector.broadcast %get3A_38 : vector<1x1024xf32> to vector<256x1024xf32>
    %add3A_40 = arith.addf %mul3A_35, %add3A_39 : vector<256x1024xf32>
    %reduce_sum3A_41 = arith.constant dense<0.000000e+00> : vector<256xf32>
    %reduce_sum3A_42 = vector.multi_reduction <add>, %add3A_40, %reduce_sum3A_41 [1] : vector<256x1024xf32> to vector<256xf32>
    %broadcast_in_dim3A_43 = vector.shape_cast %reduce_sum3A_42 : vector<256xf32> to vector<256x1xf32>
    %div3A_44 = arith.constant 1.024000e+03 : f32
    %div3A_45 = vector.broadcast %div3A_44 : f32 to vector<256x1xf32>
    %div3A_46 = arith.divf %broadcast_in_dim3A_43, %div3A_45 : vector<256x1xf32>
    %sub3A_47 = vector.broadcast %div3A_46 : vector<256x1xf32> to vector<256x1024xf32>
    %sub3A_48 = arith.subf %add3A_40, %sub3A_47 : vector<256x1024xf32>
    %integer_pow3A_49 = arith.mulf %sub3A_48, %sub3A_48 : vector<256x1024xf32>
    %reduce_sum3A_50 = arith.constant dense<0.000000e+00> : vector<256xf32>
    %reduce_sum3A_51 = vector.multi_reduction <add>, %integer_pow3A_49, %reduce_sum3A_50 [1] : vector<256x1024xf32> to vector<256xf32>
    %broadcast_in_dim3A_52 = vector.shape_cast %reduce_sum3A_51 : vector<256xf32> to vector<256x1xf32>
    %div3A_53 = arith.constant 1.024000e+03 : f32
    %div3A_54 = vector.broadcast %div3A_53 : f32 to vector<256x1xf32>
    %div3A_55 = arith.divf %broadcast_in_dim3A_52, %div3A_54 : vector<256x1xf32>
    %sub3A_56 = vector.broadcast %div3A_46 : vector<256x1xf32> to vector<256x1024xf32>
    %sub3A_57 = arith.subf %add3A_40, %sub3A_56 : vector<256x1024xf32>
    %add3A_58 = arith.constant 9.99999974E-6 : f32
    %add3A_59 = vector.broadcast %add3A_58 : f32 to vector<256x1xf32>
    %add3A_60 = arith.addf %div3A_55, %add3A_59 : vector<256x1xf32>
    %sqrt3A_61 = math.sqrt %add3A_60 : vector<256x1xf32>
    %div3A_62 = vector.broadcast %sqrt3A_61 : vector<256x1xf32> to vector<256x1024xf32>
    %div3A_63 = arith.divf %sub3A_57, %div3A_62 : vector<256x1024xf32>
    %get3A_64 = arith.constant 0 : index
    %get3A_65 = arith.constant 0 : index
    %get3A_66 = vector.load %arg6[%get3A_64, %get3A_65] : memref<1x1024xf32, #tpu.memory_space<vmem>>, vector<1x1024xf32>
    %mul3A_67 = vector.broadcast %get3A_66 : vector<1x1024xf32> to vector<256x1024xf32>
    %mul3A_68 = arith.mulf %div3A_63, %mul3A_67 : vector<256x1024xf32>
    %get3A_69 = arith.constant 0 : index
    %get3A_70 = arith.constant 0 : index
    %get3A_71 = vector.load %arg7[%get3A_69, %get3A_70] : memref<1x1024xf32, #tpu.memory_space<vmem>>, vector<1x1024xf32>
    %add3A_72 = vector.broadcast %get3A_71 : vector<1x1024xf32> to vector<256x1024xf32>
    %add3A_73 = arith.addf %mul3A_68, %add3A_72 : vector<256x1024xf32>
    %swap3A = arith.constant 0 : index
    %swap3A_74 = arith.constant 0 : index
    %swap3A_75 = vector.load %arg8[%swap3A, %swap3A_74] : memref<256x1024xf32, #tpu.memory_space<vmem>>, vector<256x1024xf32>
    tpu.vector_store %arg8[%swap3A, %swap3A_74], %add3A_73 {strides = array<i32>} : memref<256x1024xf32, #tpu.memory_space<vmem>>, vector<256x1024xf32>,
    return
  }
  func.func @transform_0(%arg0: i32) -> (i32, i32) {
    %c0_i32 = arith.constant 0 : i32
    %c0_i32_0 = arith.constant 0 : i32
    return %arg0, %c0_i32 : i32, i32
  }
  func.func @transform_1(%arg0: i32) -> (i32, i32) {
    %add3A = arith.constant 8 : i32
    %add3A_0 = arith.addi %add3A, %arg0 : i32
    %c0_i32 = arith.constant 0 : i32
    %c0_i32_1 = arith.constant 0 : i32
    return %add3A_0, %c0_i32 : i32, i32
  }
  func.func @transform_2(%arg0: i32) -> (i32, i32) {
    %c0_i32 = arith.constant 0 : i32
    %c0_i32_0 = arith.constant 0 : i32
    return %arg0, %c0_i32 : i32, i32
  }
  func.func @transform_3(%arg0: i32) -> (i32, i32) {
    %c0_i32 = arith.constant 0 : i32
    %c0_i32_0 = arith.constant 0 : i32
    %c0_i32_1 = arith.constant 0 : i32
    return %c0_i32, %c0_i32_0 : i32, i32
  }
  func.func @transform_4(%arg0: i32) -> (i32, i32) {
    %c0_i32 = arith.constant 0 : i32
    %c0_i32_0 = arith.constant 0 : i32
    %c0_i32_1 = arith.constant 0 : i32
    return %c0_i32, %c0_i32_0 : i32, i32
  }
  func.func @transform_5(%arg0: i32) -> (i32, i32) {
    %c0_i32 = arith.constant 0 : i32
    %c0_i32_0 = arith.constant 0 : i32
    %c0_i32_1 = arith.constant 0 : i32
    return %c0_i32, %c0_i32_0 : i32, i32
  }
  func.func @transform_6(%arg0: i32) -> (i32, i32) {
    %c0_i32 = arith.constant 0 : i32
    %c0_i32_0 = arith.constant 0 : i32
    %c0_i32_1 = arith.constant 0 : i32
    return %c0_i32, %c0_i32_0 : i32, i32
  }
  func.func @transform_7(%arg0: i32) -> (i32, i32) {
    %c0_i32 = arith.constant 0 : i32
    %c0_i32_0 = arith.constant 0 : i32
    return %arg0, %c0_i32 : i32, i32
  }
}

</mosaic_0001>

<sc_bundles>
// kernel: kernel.10.cloned.1.call-start
scs
__scs_entry_jumppad:
0x0: {  	(pc) =	sbr.rel $0x88, $3  }
0x1: {  	(tag) =	ssettag $0x0;
	lr =	simm.s32 $0x1  }
0x2: {  	[smem:$0x3F93] =	sst lr;
	_ =	strace $0xD0000000  }
0x3: {  	_ = 	snop  }
0x4: {  	_ = 	snop  }
0x5: {  	_ = 	snop  }
0x6: {  	_ = 	snop  }
0x7: {  	_ = 	snop  }
__scs_overlays_trampoline_lowered:
0x8: {  	[smem:$0x3FA2] =	sst s0  }
0x9: {  	[smem:$0x3FA3] =	sst s1  }
0xa: {  	[smem:$0x3FA4] =	sst s2  }
0xb: {  	[smem:$0x3FA5] =	sst s3  }
0xc: {  	[smem:$0x3FA6] =	sst s4  }
0xd: {  	[smem:$0x3FA7] =	sst s5  }
0xe: {  	[smem:$0x3FA8] =	sst s6  }
0xf: {  	[smem:$0x3FA9] =	sst s7  }
0x10: {  	[smem:$0x3FAA] =	sst s8  }
0x11: {  	[smem:$0x3FAB] =	sst s9;
	s0 =	simm.s32 @!p0 $0x0  }
0x12: {  	s1 =	sld [smem:$0x3F91];
	s0 =	simm.s32 @p0 $0x1  }
0x13: {  	[smem:$0x3FAC] =	sst s0;
	s0 =	simm.s32 @!p1 $0x0  }
0x14: {  	s2 =	sld [smem:$0x3F90];
	s0 =	simm.s32 @p1 $0x1  }
0x15: {  	[smem:$0x3FAD] =	sst s0;
	s0 =	simm.s32 @!p2 $0x0  }
0x16: {  	s3 =	sld [smem:$0x3FDB];
	s0 =	simm.s32 @p2 $0x1  }
0x17: {  	s4 =	simm.s32 $0x1BF5;
	[smem:$0x3FAF] =	sst s0  }
0x18: {  	s0 =	sld [smem:$0x3F92];
	_ =	swait.ge [sflag:s4], $0x0  }
0x19: {  	s7 =	sld [smem:$0x3F93]  }
0x1a: {  	s8 =	sadd.s32 $0xFFFFE003, lr  }
0x1b: {  	s9 =	sadd.s32 $0xFFFFFEF7, lr;
	s5 =	simm.s32 $0xFFFFFFFF;
	p2 =	slt.u32 s8, $0xFFFFF086  }
0x1c: {  	p1 =	slt.u32 s9, $0xF7A;
	s5 =	simm.s32 @!p2 $0x0  }
0x1d: {  	s5 =	simm.s32 @p1 $0x1;
	p0 =	seq.s32 s7, s2  }
0x1e: {  	s7 =	smul.u32 @!p0 $0xF7A, s2;
	p2 =	seq.s32 @!p0 s5, $0x0  }
0x1f: {  	s9 =	smul.u32 $0xF7A, s1;
	s8 =	simm.s32 @!p0 $0x1BF5;
	p2 =	por !p2, p0  }
0x20: {  	[sflag:s8] =	ssyncset.s32 @!p0 $0xFFFFF086;
	s6 =	sadd.s32 @!p0 s3, s7;
	s7 =	simm.s32 @!p0 $0x108  }
0x21: {  	s3 =	sadd.s32 s3, s9;
	s6 =	sadd.s32 @!p0 $0x88, s6;
	s7 =	simm.s32 @p2 $0x1082  }
0x22: {  	[simem:s7], [sflag:s8] =	dma.local @!p0 [hbm:s6], $0xF7A  }
0x23: {  	s9 =	sor.u32 $0xD0000000, s2;
	s6 =	simm.s32 $0x108;
	_ =	swait.ge @!p0 [sflag:s8], $0x0  }
0x24: {  	s3 =	sadd.s32 $0x88, s3;
	s6 =	simm.s32 @!p1 $0x1082;
	[sflag:s4] =	ssyncset.s32 $0xFFFFF086  }
0x25: {  	[simem:s6], [sflag:s4] =	dma.local [hbm:s3], $0xF7A  }
0x26: {  	[smem:$0x3F93] =	sst s1;
	(tag) =	ssettag s2;
	_ =	strace s9  }
0x27: {  	s1 =	sld [smem:$0x3FA3]  }
0x28: {  	s2 =	sld [smem:$0x3FA4]  }
0x29: {  	s4 =	sld [smem:$0x3FA6]  }
0x2a: {  	p0 =	seq.s32 s5, $0x0;
	s5 =	sld [smem:$0x3FA7]  }
0x2b: {  	s6 =	sld [smem:$0x3FA8]  }
0x2c: {  	s7 =	sld [smem:$0x3FA9]  }
0x2d: {  	s3 =	simm.s32 $0x108;
	s8 =	sld [smem:$0x3FAA]  }
0x2e: {  	s3 =	simm.s32 @!p0 $0x1082;
	s9 =	sld [smem:$0x3FAB]  }
0x2f: {  	lr =	sadd.s32 s0, s3;
	s0 =	sld [smem:$0x3FA2]  }
0x30: {  	s3 =	sld [smem:$0x3FA5]  }
0x31: {  	[smem:$0x3FAE] =	sst s10  }
0x32: {  	s10 =	sld [smem:$0x3FAC];
	_ =	sdelay $0x3  }
0x33: {  	p0 =	seq.s32 s10, $0x1;
	s10 =	sld [smem:$0x3FAE];
	_ =	sdelay $0x3  }
0x34: {  	[smem:$0x3FAE] =	sst s10  }
0x35: {  	s10 =	sld [smem:$0x3FAD];
	_ =	sdelay $0x3  }
0x36: {  	p1 =	seq.s32 s10, $0x1;
	s10 =	sld [smem:$0x3FAE];
	_ =	sdelay $0x3  }
0x37: {  	[smem:$0x3FAE] =	sst s10  }
0x38: {  	s10 =	sld [smem:$0x3FAF]  }
0x39: {  	_ = 	snop;
	(pc) =	sbr.ind lr, $3  }
0x3a: {  	_ = 	snop  }
0x3b: {  	_ = 	snop  }
0x3c: {  	p2 =	seq.s32 s10, $0x1;
	s10 =	sld [smem:$0x3FAE]  }
0x3d: {  	_ =	shalt  }
0x3e: {  	_ =	shalt  }
0x3f: {  	_ =	shalt  }
0x40: {  	_ =	shalt  }
0x41: {  	_ =	shalt  }
0x42: {  	_ =	shalt  }
0x43: {  	_ =	shalt  }
0x44: {  	_ =	shalt  }
0x45: {  	_ =	shalt  }
0x46: {  	_ =	shalt  }
0x47: {  	_ =	shalt  }
0x48: {  	_ =	shalt  }
0x49: {  	_ =	shalt  }
0x4a: {  	_ =	shalt  }
0x4b: {  	_ =	shalt  }
0x4c: {  	_ =	shalt  }
0x4d: {  	_ =	shalt  }
0x4e: {  	_ =	shalt  }
0x4f: {  	_ =	shalt  }
0x50: {  	_ =	shalt  }
0x51: {  	_ =	shalt  }
0x52: {  	_ =	shalt  }
0x53: {  	_ =	shalt  }
0x54: {  	_ =	shalt  }
0x55: {  	_ =	shalt  }
0x56: {  	_ =	shalt  }
0x57: {  	_ =	shalt  }
0x58: {  	_ =	shalt  }
0x59: {  	_ =	shalt  }
0x5a: {  	_ =	shalt  }
0x5b: {  	_ =	shalt  }
0x5c: {  	_ =	shalt  }
0x5d: {  	_ =	shalt  }
0x5e: {  	_ =	shalt  }
0x5f: {  	_ =	shalt  }
0x60: {  	_ =	shalt  }
0x61: {  	_ =	shalt  }
0x62: {  	_ =	shalt  }
0x63: {  	_ =	shalt  }
0x64: {  	_ =	shalt  }
0x65: {  	_ =	shalt  }
0x66: {  	_ =	shalt  }
0x67: {  	_ =	shalt  }
0x68: {  	_ =	shalt  }
0x69: {  	_ =	shalt  }
0x6a: {  	_ =	shalt  }
0x6b: {  	_ =	shalt  }
0x6c: {  	_ =	shalt  }
0x6d: {  	_ =	shalt  }
0x6e: {  	_ =	shalt  }
0x6f: {  	_ =	shalt  }
0x70: {  	_ =	shalt  }
0x71: {  	_ =	shalt  }
0x72: {  	_ =	shalt  }
0x73: {  	_ =	shalt  }
0x74: {  	_ =	shalt  }
0x75: {  	_ =	shalt  }
0x76: {  	_ =	shalt  }
0x77: {  	_ =	shalt  }
0x78: {  	_ =	shalt  }
0x79: {  	_ =	shalt  }
0x7a: {  	_ =	shalt  }
0x7b: {  	_ =	shalt  }
0x7c: {  	_ =	shalt  }
0x7d: {  	_ =	shalt  }
0x7e: {  	_ =	shalt  }
0x7f: {  	_ =	shalt  }
0x80: {  	_ =	shalt  }
0x81: {  	_ =	shalt  }
0x82: {  	_ =	shalt  }
0x83: {  	_ =	shalt  }
0x84: {  	_ =	shalt  }
0x85: {  	_ =	shalt  }
0x86: {  	_ =	shalt  }
0x87: {  	_ =	shalt  }
.Lfunc_end0:
.L_simem_size_0:
called_computation_lowered:
.L_overlay_start_0:
0x88: {  	s2 =	sld [smem:$0x3FD9]  }
0x89: {  	s3 =	sld [smem:$0x3FFE];
	_ =	sdelay $0x1  }
0x8a: {  	s1 =	srdreg.scid  }
0x8b: {  	s0 =	sand.u32 $0x1, s1  }
0x8c: {  	s14 =	sshll.u32 s0, $0xA;
	s2 =	sadd.s32 s3, s2  }
0x8d: {  	s2 =	sadd.s32 s2, s14  }
0x8e: {  	[smem:$0x3FBA] =	sst s2  }
0x8f: {  	_ = 	snop  }
0x90: {  	s2 =	sld [smem:$0x3FD0];
	_ =	sdelay $0x2  }
0x91: {  	s15 =	simm.s32 $0xA;
	s4 =	simm.s32 $0x10  }
0x92: {  	[smem:s4], [sflag:s15] =	dma.local [hbm:s2], $0x1  }
0x93: {  	_ =	swait.eq [sflag:s15], $0x1  }
0x94: {  	[sflag:s15] =	ssyncset.done $0x0  }
0x95: {  	[sflag:s15] =	ssyncadd.s32 $0xFFFFFFFF  }
0x96: {  	s16 =	sld [smem:$0x10];
	(tm) =	ssettm $0x1  }
0x97: {  	s17 =	sld [smem:$0x3FFB];
	_ =	sdelay $0x3  }
0x98: {  	_ =	strace s17  }
0x99: {  	s3 =	sld [smem:$0x3FFC];
	_ =	sdelay $0x3  }
0x9a: {  	_ =	strace s3  }
0x9b: {  	s3 =	sld [smem:$0x3FFD];
	_ =	sdelay $0x3  }
0x9c: {  	_ =	strace s3  }
0x9d: {  	_ =	strace $0x8FFFFFFF  }
0x9e: {  	s18 =	sld [smem:$0x3FDB];
	_ =	sdelay $0x1  }
0x9f: {  	s19 =	simm.s32 $_scs_section_size  }
0xa0: {  	s5 =	simm.s32 $_size__tile_overlayer_lowered;
	s6 =	simm.s32 $_tile_overlayer_lowered  }
0xa1: {  	s22 =	simm.s32 $0x1BFF;
	s21 =	sshll.u32 s6, $0x1;
	s3 =	sadd.s32 s19, s18  }
0xa2: {  	s7 =	simm.s32 $0x0;
	s20 =	sshll.u32 s5, $0x1;
	s5 =	sadd.s32 s21, s3  }
0xa3: {  	[timem:s7], [sflag:s22] =	dma.local [hbm:s5], s20  }
0xa4: {  	_ =	swait.ge [sflag:s22], s20  }
0xa5: {  	s4 =	ssub.s32 $0x0, s20;
	[sflag:s22] =	ssyncset.done $0x0  }
0xa6: {  	[sflag:s22] =	ssyncadd.s32 s4;
	_ =	sdelay $0x1  }
0xa7: {  	s23 =	simm.s32 $0x1B8B  }
0xa8: {  	_ =	swait.ge [sflag:s23], $0x1  }
0xa9: {  	[sflag:s23] =	ssyncset.done $0x0  }
0xaa: {  	s25 =	simm.s32 $0x1B8E;
	s24 =	sld [smem:$0x3FFE];
	[sflag:s23] =	ssyncadd.s32 $0xFFFFFFFF  }
0xab: {  	s26 =	simm.s32 $execute0_lowered;
	[smem:$0x3FD2] =	sst s25  }
0xac: {  	s5 =	sshll.u32 s26, $0x1;
	_ =	strace $0x80000046;
	[dreg:$0x1] =	wrdreg $0xFFFFFFFF  }
0xad: {  	s28 =	simm.s32 $_size_execute0_lowered;
	s3 =	sadd.s32 s3, s5;
	[dreg:$0x0] =	wrdreg $0x0  }
0xae: {  	s5 =	sshll.u32 s28, $0x1;
	[dreg:$0x2] =	wrdreg s3  }
0xaf: {  	[dreg:$0x3] =	wrdreg s5  }
0xb0: {  	[dreg:$0x4] =	wrdreg $0xC0  }
0xb1: {  	_ =	task [dreg:s7], $0x5FFFF  }
0xb2: {  	[dreg:$0x1] =	wrdreg $0xFFFFFFFF  }
0xb3: {  	[dreg:$0x0] =	wrdreg $0x60  }
0xb4: {  	[dreg:$0x2] =	wrdreg s16  }
0xb5: {  	[dreg:$0x3] =	wrdreg s24  }
0xb6: {  	[dreg:$0x4] =	wrdreg $0x9  }
0xb7: {  	_ =	task.clear_ibuf [dreg:s7], $0x5FFFF;
	_ =	strace $0x90000046  }
0xb8: {  	s29 =	simm.s32 $0x9;
	_ =	strace $0x80000048  }
0xb9: {  	_ =	swait.ge [sflag:s29], $0x1  }
0xba: {  	[sflag:s29] =	ssyncadd.s32 $0xFFFFFFFF  }
0xbb: {  	_ =	strace $0x90000048  }
0xbc: {  	_ =	sfence  }
0xbd: {  	s30 =	sld [smem:$0x0];
	_ =	sdelay $0x2  }
0xbe: {  	s31 =	sshll.u32 s1, $0xD;
	s1 =	sshrl.u32 s1, $0x2  }
0xbf: {  	s3 =	sand.u32 $0x4000, s31;
	s1 =	sadd.s32 s1, s30  }
0xc0: {  	s0 =	sor.u32 s3, s0;
	s1 =	sshll.u32 s1, $0x11  }
0xc1: {  	s0 =	sor.u32 s1, s0  }
0xc2: {  	s0 =	sadd.s32 $0x8F2B, s0  }
0xc3: {  	[sflag:s0] =	ssyncadd.remote.s32 $0x1  }
0xc4: {  	_ =	sfence.sel $0xFFFF  }
0xc5: {  	[dreg:$0x0] =	wrdreg $0xFFFFFFFF;
	(pc) =	sbr.abs _section_cstart, $3  }
0xc6: {  	[dreg:$0x1] =	wrdreg $0xFFFFFFFF  }
0xc7: {  	_ =	task.clear_ibuf [dreg:s7], $0x2FFFF;
	_ =	strace $0x9FFFFFFF  }
0xc8: {  	(tm) =	ssettm $0x7FFFFFFF  }
0xc9: {  	_ =	shalt  }
tec
execute0_lowered:
.L_overlay_start_1:
0x0: {  	(tag) =	ssettag $0x1  }
0x1: {  	s0 =	srdreg.scid;
	s5 =	stileid.u32  }
0x2: {  	s2 =	rddreg [dreg:$0x0];
	s0 =	sand.u32 $0x1, s0;
	s1 =	smul.u32 $0x180, s5  }
0x3: {  	s4 =	rddreg [dreg:$0x1];
	s12 =	simm.s32 $0x880;
	s3 =	smul.u32 $0xC0, s0  }
0x4: {  	s14 =	simm.s32 $0x1080;
	s16 =	simm.s32 $0x1880;
	s17 =	simm.s32 $0x2080  }
0x5: {  	s18 =	simm.s32 $0x2880;
	s1 =	sadd.s32 s3, s1;
	s3 =	simm.s32 $0x0  }
0x6: {  	s19 =	simm.s32 $0x3080;
	s20 =	simm.s32 $0x3880;
	[smem:$0x7FF] =	sst s3  }
0x7: {  	s21 =	simm.s32 $0x4080;
	_ =	strace $0x80000047;
	[dreg:$0x4] =	wrdreg s12  }
0x8: {  	s22 =	simm.s32 $0x4880;
	s23 =	simm.s32 $0x5080;
	[dreg:$0x5] =	wrdreg s14  }
0x9: {  	s24 =	simm.s32 $0x5880;
	s9 =	simm.s32 $0x2;
	[dreg:$0x6] =	wrdreg s16  }
0xa: {  	s25 =	simm.s32 $0x6080;
	s13 =	ssub.s32 $0x2, s0;
	[dreg:$0x7] =	wrdreg s17  }
0xb: {  	s10 =	simm.s32 $0x80;
	s15 =	sshrl.u32 s13, $0x1;
	[dreg:$0x8] =	wrdreg s18  }
0xc: {  	s5 =	smul.u32 $0xC000, s5;
	s7 =	ssub.s32 s13, s15;
	[dreg:$0x9] =	wrdreg s19  }
0xd: {  	s0 =	smul.u32 $0x6000, s0;
	s7 =	smax.u32 s7, $0x1;
	[dreg:$0xa] =	wrdreg s20  }
0xe: {  	s26 =	simm.s32 $0x6880;
	s8 =	sadd.s32 s5, s4;
	[dreg:$0x11] =	wrdreg s7  }
0xf: {  	s11 =	simm.s32 $0x7080;
	s0 =	sadd.s32 s0, s8;
	[dreg:$0xb] =	wrdreg s21  }
0x10: {  	s28 =	simm.s32 $0xF080;
	s0 =	sadd.s32 $0x9A00, s0;
	[dreg:$0xc] =	wrdreg s22  }
0x11: {  	s29 =	simm.s32 $0xF880;
	s30 =	simm.s32 $0x1;
	[dreg:$0x12] =	wrdreg s0  }
0x12: {  	s31 =	simm.s32 $0x0;
	s6 =	sadd.s32 $0x300, s2;
	[dreg:$0xd] =	wrdreg s23  }
0x13: {  	s5 =	sadd.s32 $0x200, s2;
	s13 =	simm.s32 $0x8080;
	[dreg:$0xe] =	wrdreg s24  }
0x14: {  	s15 =	simm.s32 $0x9080;
	s1 =	sshrl.u32 s1, $0x3;
	[dreg:$0xf] =	wrdreg s25  }
0x15: {  	s1 =	sadd.s32 s1, s4;
	s4 =	sadd.s32 $0x100, s2;
	[dreg:$0x10] =	wrdreg s26  }
0x16: {  	s12 =	simm.s32 $0x7880;
	s14 =	simm.s32 $0x8880;
	s16 =	simm.s32 $0x9880  }
0x17: {  	s17 =	simm.s32 $0xA080;
	s18 =	simm.s32 $0xA880;
	s19 =	simm.s32 $0xB080  }
0x18: {  	v2 =	vlaneseq.u32;
	s20 =	simm.s32 $0xB880;
	s21 =	simm.s32 $0xC080;
	s22 =	simm.s32 $0xC880  }
0x19: {  	vm0 =	vmmov $0xffff;
	v1 =	vshrl.u32 v2, $0x3;
	s23 =	simm.s32 $0xD080;
	s24 =	simm.s32 $0xD880;
	s1 =	sadd.s32 $0x9600, s1  }
0x1a: {  	v0 =	vand.u32 $0x7, v2;
	v2 =	vor.u32 $0x8, v2;
	v1 =	vmul.u32 $0x8, v1;
	s25 =	simm.s32 $0xE080;
	s26 =	simm.s32 $0xE880;
	[dreg:$0x3] =	wrdreg s1  }
.LBB2_1:
0x1b: {  	s8 =	rddreg [dreg:$0x12];
	s0 =	simm.s32 $0x0  }
.LBB2_2:
0x1c: {  	s7 =	rddreg [dreg:$0x3]  }
0x1d: {  	s7 =	sadd.s32 s0, s7  }
0x1e: {  	[tilespmem:s3], [sflag:$0x2] =	stream.linear.gather [hbm4b:s7+s3], $0x40, $0x38;
	[tilespmem:$0x10080] =	vst v63  }
0x1f: {  	_ =	swait.ge [sflag:s9], $0x40  }
0x20: {  	[sflag:s9] =	ssyncset.done $0x0  }
0x21: {  	[sflag:s9] =	ssyncadd.s32 $0xFFFFFFC0  }
0x22: {  	v3 =	vld [tilespmem:$0x0];
	_ =	sdelay $0x4  }
0x23: {  	v4 =	vshll.u32 v3, $0x3  }
0x24: {  	v3 =	vand.u32 $0x7, v3;
	v4 =	vand.u32 $0xFFFFFFC0, v4  }
0x25: {  	v3 =	vor.u32 v3, v4  }
0x26: {  	v4 =	vperm.xlane v3, v0;
	_ =	sdelay $0x1  }
0x27: {  	v4 =	vadd.s32 v1, v4;
	_ =	sdelay $0x4  }
0x28: {  	[tilespmem:s10], [sflag:$0x1] =	stream.indirect_vreg.gather [hbm4b:s2+s3], $0x80, v4, vm0, $0xb8;
	[tilespmem:$0x10080] =	vst v63  }
0x29: {  	s7 =	rddreg [dreg:$0x4];
	v3 =	vperm.xlane v3, v2  }
0x2a: {  	[tilespmem:s7], [sflag:$0x1] =	stream.indirect_vreg.gather [hbm4b:s4+s3], $0x80, v4, vm0, $0xb8;
	[tilespmem:$0x10080] =	vst v63  }
0x2b: {  	s1 =	rddreg [dreg:$0x5];
	v3 =	vadd.s32 v1, v3  }
0x2c: {  	[tilespmem:s1], [sflag:$0x1] =	stream.indirect_vreg.gather [hbm4b:s5+s3], $0x80, v4, vm0, $0xb8;
	[tilespmem:$0x10080] =	vst v63  }
0x2d: {  	s7 =	rddreg [dreg:$0x6]  }
0x2e: {  	[tilespmem:s7], [sflag:$0x1] =	stream.indirect_vreg.gather [hbm4b:s6+s3], $0x80, v4, vm0, $0xb8;
	[tilespmem:$0x10080] =	vst v63  }
0x2f: {  	s1 =	rddreg [dreg:$0x7]  }
0x30: {  	[tilespmem:s1], [sflag:$0x1] =	stream.indirect_vreg.gather [hbm4b:s2+s3], $0x80, v3, vm0, $0xb8;
	[tilespmem:$0x10080] =	vst v63  }
0x31: {  	s7 =	rddreg [dreg:$0x8]  }
0x32: {  	[tilespmem:s7], [sflag:$0x1] =	stream.indirect_vreg.gather [hbm4b:s4+s3], $0x80, v3, vm0, $0xb8;
	[tilespmem:$0x10080] =	vst v63  }
0x33: {  	s1 =	rddreg [dreg:$0x9]  }
0x34: {  	[tilespmem:s1], [sflag:$0x1] =	stream.indirect_vreg.gather [hbm4b:s5+s3], $0x80, v3, vm0, $0xb8;
	[tilespmem:$0x10080] =	vst v63  }
0x35: {  	s7 =	rddreg [dreg:$0xa]  }
0x36: {  	[tilespmem:s7], [sflag:$0x1] =	stream.indirect_vreg.gather [hbm4b:s6+s3], $0x80, v3, vm0, $0xb8;
	[tilespmem:$0x10080] =	vst v63  }
0x37: {  	v3 =	vld [tilespmem:$0x10];
	_ =	sdelay $0x4  }
0x38: {  	v61 =	vshll.u32 v3, $0x3  }
0x39: {  	v3 =	vand.u32 $0x7, v3;
	v4 =	vand.u32 $0xFFFFFFC0, v61  }
0x3a: {  	v3 =	vor.u32 v3, v4  }
0x3b: {  	v4 =	vperm.xlane v3, v0;
	_ =	sdelay $0x1  }
0x3c: {  	v4 =	vadd.s32 v1, v4;
	_ =	sdelay $0x3  }
0x3d: {  	s1 =	rddreg [dreg:$0xb]  }
0x3e: {  	[tilespmem:s1], [sflag:$0x1] =	stream.indirect_vreg.gather [hbm4b:s2+s3], $0x80, v4, vm0, $0xb8;
	[tilespmem:$0x10080] =	vst v63  }
0x3f: {  	s7 =	rddreg [dreg:$0xc];
	v3 =	vperm.xlane v3, v2  }
0x40: {  	[tilespmem:s7], [sflag:$0x1] =	stream.indirect_vreg.gather [hbm4b:s4+s3], $0x80, v4, vm0, $0xb8;
	[tilespmem:$0x10080] =	vst v63  }
0x41: {  	v3 =	vadd.s32 v1, v3;
	s1 =	rddreg [dreg:$0xd]  }
0x42: {  	[tilespmem:s1], [sflag:$0x1] =	stream.indirect_vreg.gather [hbm4b:s5+s3], $0x80, v4, vm0, $0xb8;
	[tilespmem:$0x10080] =	vst v63  }
0x43: {  	s7 =	rddreg [dreg:$0xe]  }
0x44: {  	[tilespmem:s7], [sflag:$0x1] =	stream.indirect_vreg.gather [hbm4b:s6+s3], $0x80, v4, vm0, $0xb8;
	[tilespmem:$0x10080] =	vst v63  }
0x45: {  	s1 =	rddreg [dreg:$0xf]  }
0x46: {  	[tilespmem:s1], [sflag:$0x1] =	stream.indirect_vreg.gather [hbm4b:s2+s3], $0x80, v3, vm0, $0xb8;
	[tilespmem:$0x10080] =	vst v63  }
0x47: {  	s7 =	rddreg [dreg:$0x10]  }
0x48: {  	[tilespmem:s7], [sflag:$0x1] =	stream.indirect_vreg.gather [hbm4b:s4+s3], $0x80, v3, vm0, $0xb8;
	[tilespmem:$0x10080] =	vst v63  }
0x49: {  	_ = 	snop  }
0x4a: {  	[tilespmem:s11], [sflag:$0x1] =	stream.indirect_vreg.gather [hbm4b:s5+s3], $0x80, v3, vm0, $0xb8;
	[tilespmem:$0x10080] =	vst v63  }
0x4b: {  	_ = 	snop  }
0x4c: {  	[tilespmem:s12], [sflag:$0x1] =	stream.indirect_vreg.gather [hbm4b:s6+s3], $0x80, v3, vm0, $0xb8;
	[tilespmem:$0x10080] =	vst v63  }
0x4d: {  	v3 =	vld [tilespmem:$0x20];
	_ =	sdelay $0x4  }
0x4e: {  	v62 =	vshll.u32 v3, $0x3  }
0x4f: {  	v3 =	vand.u32 $0x7, v3;
	v4 =	vand.u32 $0xFFFFFFC0, v62  }
0x50: {  	v3 =	vor.u32 v3, v4  }
0x51: {  	v4 =	vperm.xlane v3, v0;
	_ =	sdelay $0x1  }
0x52: {  	v4 =	vadd.s32 v1, v4;
	_ =	sdelay $0x4  }
0x53: {  	[tilespmem:s13], [sflag:$0x1] =	stream.indirect_vreg.gather [hbm4b:s2+s3], $0x80, v4, vm0, $0xb8;
	[tilespmem:$0x10080] =	vst v63  }
0x54: {  	v3 =	vperm.xlane v3, v2  }
0x55: {  	[tilespmem:s14], [sflag:$0x1] =	stream.indirect_vreg.gather [hbm4b:s4+s3], $0x80, v4, vm0, $0xb8;
	[tilespmem:$0x10080] =	vst v63  }
0x56: {  	v3 =	vadd.s32 v1, v3  }
0x57: {  	[tilespmem:s15], [sflag:$0x1] =	stream.indirect_vreg.gather [hbm4b:s5+s3], $0x80, v4, vm0, $0xb8;
	[tilespmem:$0x10080] =	vst v63  }
0x58: {  	_ = 	snop  }
0x59: {  	[tilespmem:s16], [sflag:$0x1] =	stream.indirect_vreg.gather [hbm4b:s6+s3], $0x80, v4, vm0, $0xb8;
	[tilespmem:$0x10080] =	vst v63  }
0x5a: {  	_ = 	snop  }
0x5b: {  	[tilespmem:s17], [sflag:$0x1] =	stream.indirect_vreg.gather [hbm4b:s2+s3], $0x80, v3, vm0, $0xb8;
	[tilespmem:$0x10080] =	vst v63  }
0x5c: {  	_ = 	snop  }
0x5d: {  	[tilespmem:s18], [sflag:$0x1] =	stream.indirect_vreg.gather [hbm4b:s4+s3], $0x80, v3, vm0, $0xb8;
	[tilespmem:$0x10080] =	vst v63  }
0x5e: {  	_ = 	snop  }
0x5f: {  	[tilespmem:s19], [sflag:$0x1] =	stream.indirect_vreg.gather [hbm4b:s5+s3], $0x80, v3, vm0, $0xb8;
	[tilespmem:$0x10080] =	vst v63  }
0x60: {  	_ = 	snop  }
0x61: {  	[tilespmem:s20], [sflag:$0x1] =	stream.indirect_vreg.gather [hbm4b:s6+s3], $0x80, v3, vm0, $0xb8;
	[tilespmem:$0x10080] =	vst v63  }
0x62: {  	v3 =	vld [tilespmem:$0x30];
	_ =	sdelay $0x4  }
0x63: {  	v63 =	vshll.u32 v3, $0x3  }
0x64: {  	v3 =	vand.u32 $0x7, v3;
	v4 =	vand.u32 $0xFFFFFFC0, v63  }
0x65: {  	v3 =	vor.u32 v3, v4  }
0x66: {  	v4 =	vperm.xlane v3, v0;
	_ =	sdelay $0x1  }
0x67: {  	v4 =	vadd.s32 v1, v4;
	_ =	sdelay $0x4  }
0x68: {  	[tilespmem:s21], [sflag:$0x1] =	stream.indirect_vreg.gather [hbm4b:s2+s3], $0x80, v4, vm0, $0xb8;
	[tilespmem:$0x10080] =	vst v63  }
0x69: {  	v3 =	vperm.xlane v3, v2  }
0x6a: {  	[tilespmem:s22], [sflag:$0x1] =	stream.indirect_vreg.gather [hbm4b:s4+s3], $0x80, v4, vm0, $0xb8;
	[tilespmem:$0x10080] =	vst v63  }
0x6b: {  	v3 =	vadd.s32 v1, v3  }
0x6c: {  	[tilespmem:s23], [sflag:$0x1] =	stream.indirect_vreg.gather [hbm4b:s5+s3], $0x80, v4, vm0, $0xb8;
	[tilespmem:$0x10080] =	vst v63  }
0x6d: {  	_ = 	snop  }
0x6e: {  	[tilespmem:s24], [sflag:$0x1] =	stream.indirect_vreg.gather [hbm4b:s6+s3], $0x80, v4, vm0, $0xb8;
	[tilespmem:$0x10080] =	vst v63  }
0x6f: {  	_ = 	snop  }
0x70: {  	[tilespmem:s25], [sflag:$0x1] =	stream.indirect_vreg.gather [hbm4b:s2+s3], $0x80, v3, vm0, $0xb8;
	[tilespmem:$0x10080] =	vst v63  }
0x71: {  	_ = 	snop  }
0x72: {  	[tilespmem:s26], [sflag:$0x1] =	stream.indirect_vreg.gather [hbm4b:s4+s3], $0x80, v3, vm0, $0xb8;
	[tilespmem:$0x10080] =	vst v63  }
0x73: {  	_ = 	snop  }
0x74: {  	[tilespmem:s28], [sflag:$0x1] =	stream.indirect_vreg.gather [hbm4b:s5+s3], $0x80, v3, vm0, $0xb8;
	[tilespmem:$0x10080] =	vst v63  }
0x75: {  	_ = 	snop  }
0x76: {  	[tilespmem:s29], [sflag:$0x1] =	stream.indirect_vreg.gather [hbm4b:s6+s3], $0x80, v3, vm0, $0xb8;
	[tilespmem:$0x10080] =	vst v63  }
0x77: {  	_ =	swait.ge [sflag:s30], $0x10000  }
0x78: {  	p0 =	sne.s32 s0, $0x10;
	[sflag:s30] =	ssyncset.done $0x0  }
.Ltmp0:
0x79: {  	[sflag:s30] =	ssyncadd.s32 $0xFFFF0000;
	(pc) =	sbr.rel @p0 .LBB2_2-.Ltmp0, $4  }
0x7a: {  	[hbm4b:s8+s3] =	stream.linear.scatter [tilespmem:s10], [sflag:$0x2], $0x10000, $0x38;
	[tilespmem:$0x10080] =	vst v63  }
0x7b: {  	_ =	swait.ge [sflag:s9], $0x10000  }
0x7c: {  	[sflag:s9] =	ssyncset.done $0x0  }
0x7d: {  	s0 =	sadd.s32 $0x8, s0;
	s8 =	sadd.s32 $0x2000, s8;
	[sflag:s9] =	ssyncadd.s32 $0xFFFF0000  }
0x7e: {  	s31 =	sadd.s32 $0x1, s31;
	s0 =	rddreg [dreg:$0x11]  }
0x7f: {  	p0 =	sne.s32 s31, s0  }
.Ltmp1:
0x80: {  	_ = 	snop;
	(pc) =	sbr.rel @p0 .LBB2_1-.Ltmp1, $1  }
0x81: {  	_ =	sdelay $0x3  }
0x82: {  	_ =	sfence.sel $0x180000  }
0x83: {  	[bflag:$0x0] =	sbarrier.arrive $0xFFFF  }
0x84: {  	_ =	strace $0x90000047  }
0x85: {  	s0 =	stileid.u32;
	[bflag:$0x2] =	sbarrier.arrive $0xFFFF  }
0x86: {  	p0 =	sne.s32 s0, $0x0;
	s0 =	rddreg [dreg:$0x2]  }
0x87: {  	s0 =	sadd.s32 @!p0 $0x100000, s0  }
0x88: {  	[sflag:s0] =	ssyncadd.tile.s32 @!p0 $0x1;
	_ =	shalt  }
.Lfunc_end2:
_tile_overlayer_lowered:
.L_overlay_start_2:
0x89: {  	(tag) =	ssettag $0x2  }
0x8a: {  	s0 =	rddreg [dreg:$0x0];
	s2 =	stileid.u32  }
0x8b: {  	s1 =	rddreg [dreg:$0x1];
	p0 =	sne.s32 s2, $0x0  }
0x8c: {  	s3 =	rddreg [dreg:$0x2];
	[bflag:$0x3] =	sbarrier.arrive $0xFFFF;
	s2 =	simm.s32 @!p0 $0x1C02  }
0x8d: {  	[timem:s3], [sflag:s2] =	dma.local @!p0 [hbm:s0], s1  }
0x8e: {  	s0 =	simm.s32 @!p0 $0x2  }
0x8f: {  	_ =	swait.ge @!p0 [sflag:s0], s1  }
0x90: {  	s1 =	ssub.s32 @!p0 $0x0, s1;
	[sflag:s0] =	ssyncset.done @!p0 $0x0  }
0x91: {  	[sflag:s0] =	ssyncadd.s32 @!p0 s1  }
0x92: {  	[bflag:$0x3] =	sbarrier.arrive $0xFFFF  }
0x93: {  	_ =	shalt  }

// kernel: kernel.13.cloned.1.call-start
scs
__scs_entry_jumppad:
0x0: {  	(pc) =	sbr.rel $0x88, $3  }
0x1: {  	(tag) =	ssettag $0x0;
	lr =	simm.s32 $0x1  }
0x2: {  	[smem:$0x3F93] =	sst lr;
	_ =	strace $0xD0000000  }
0x3: {  	_ = 	snop  }
0x4: {  	_ = 	snop  }
0x5: {  	_ = 	snop  }
0x6: {  	_ = 	snop  }
0x7: {  	_ = 	snop  }
__scs_overlays_trampoline_lowered:
0x8: {  	[smem:$0x3FA2] =	sst s0  }
0x9: {  	[smem:$0x3FA3] =	sst s1  }
0xa: {  	[smem:$0x3FA4] =	sst s2  }
0xb: {  	[smem:$0x3FA5] =	sst s3  }
0xc: {  	[smem:$0x3FA6] =	sst s4  }
0xd: {  	[smem:$0x3FA7] =	sst s5  }
0xe: {  	[smem:$0x3FA8] =	sst s6  }
0xf: {  	[smem:$0x3FA9] =	sst s7  }
0x10: {  	[smem:$0x3FAA] =	sst s8  }
0x11: {  	[smem:$0x3FAB] =	sst s9;
	s0 =	simm.s32 @!p0 $0x0  }
0x12: {  	s1 =	sld [smem:$0x3F91];
	s0 =	simm.s32 @p0 $0x1  }
0x13: {  	[smem:$0x3FAC] =	sst s0;
	s0 =	simm.s32 @!p1 $0x0  }
0x14: {  	s2 =	sld [smem:$0x3F90];
	s0 =	simm.s32 @p1 $0x1  }
0x15: {  	[smem:$0x3FAD] =	sst s0;
	s0 =	simm.s32 @!p2 $0x0  }
0x16: {  	s3 =	sld [smem:$0x3FDB];
	s0 =	simm.s32 @p2 $0x1  }
0x17: {  	s4 =	simm.s32 $0x1BF5;
	[smem:$0x3FAF] =	sst s0  }
0x18: {  	s0 =	sld [smem:$0x3F92];
	_ =	swait.ge [sflag:s4], $0x0  }
0x19: {  	s7 =	sld [smem:$0x3F93]  }
0x1a: {  	s8 =	sadd.s32 $0xFFFFE003, lr  }
0x1b: {  	s9 =	sadd.s32 $0xFFFFFEF7, lr;
	s5 =	simm.s32 $0xFFFFFFFF;
	p2 =	slt.u32 s8, $0xFFFFF086  }
0x1c: {  	p1 =	slt.u32 s9, $0xF7A;
	s5 =	simm.s32 @!p2 $0x0  }
0x1d: {  	s5 =	simm.s32 @p1 $0x1;
	p0 =	seq.s32 s7, s2  }
0x1e: {  	s7 =	smul.u32 @!p0 $0xF7A, s2;
	p2 =	seq.s32 @!p0 s5, $0x0  }
0x1f: {  	s9 =	smul.u32 $0xF7A, s1;
	s8 =	simm.s32 @!p0 $0x1BF5;
	p2 =	por !p2, p0  }
0x20: {  	[sflag:s8] =	ssyncset.s32 @!p0 $0xFFFFF086;
	s6 =	sadd.s32 @!p0 s3, s7;
	s7 =	simm.s32 @!p0 $0x108  }
0x21: {  	s3 =	sadd.s32 s3, s9;
	s6 =	sadd.s32 @!p0 $0x88, s6;
	s7 =	simm.s32 @p2 $0x1082  }
0x22: {  	[simem:s7], [sflag:s8] =	dma.local @!p0 [hbm:s6], $0xF7A  }
0x23: {  	s9 =	sor.u32 $0xD0000000, s2;
	s6 =	simm.s32 $0x108;
	_ =	swait.ge @!p0 [sflag:s8], $0x0  }
0x24: {  	s3 =	sadd.s32 $0x88, s3;
	s6 =	simm.s32 @!p1 $0x1082;
	[sflag:s4] =	ssyncset.s32 $0xFFFFF086  }
0x25: {  	[simem:s6], [sflag:s4] =	dma.local [hbm:s3], $0xF7A  }
0x26: {  	[smem:$0x3F93] =	sst s1;
	(tag) =	ssettag s2;
	_ =	strace s9  }
0x27: {  	s1 =	sld [smem:$0x3FA3]  }
0x28: {  	s2 =	sld [smem:$0x3FA4]  }
0x29: {  	s4 =	sld [smem:$0x3FA6]  }
0x2a: {  	p0 =	seq.s32 s5, $0x0;
	s5 =	sld [smem:$0x3FA7]  }
0x2b: {  	s6 =	sld [smem:$0x3FA8]  }
0x2c: {  	s7 =	sld [smem:$0x3FA9]  }
0x2d: {  	s3 =	simm.s32 $0x108;
	s8 =	sld [smem:$0x3FAA]  }
0x2e: {  	s3 =	simm.s32 @!p0 $0x1082;
	s9 =	sld [smem:$0x3FAB]  }
0x2f: {  	lr =	sadd.s32 s0, s3;
	s0 =	sld [smem:$0x3FA2]  }
0x30: {  	s3 =	sld [smem:$0x3FA5]  }
0x31: {  	[smem:$0x3FAE] =	sst s10  }
0x32: {  	s10 =	sld [smem:$0x3FAC];
	_ =	sdelay $0x3  }
0x33: {  	p0 =	seq.s32 s10, $0x1;
	s10 =	sld [smem:$0x3FAE];
	_ =	sdelay $0x3  }
0x34: {  	[smem:$0x3FAE] =	sst s10  }
0x35: {  	s10 =	sld [smem:$0x3FAD];
	_ =	sdelay $0x3  }
0x36: {  	p1 =	seq.s32 s10, $0x1;
	s10 =	sld [smem:$0x3FAE];
	_ =	sdelay $0x3  }
0x37: {  	[smem:$0x3FAE] =	sst s10  }
0x38: {  	s10 =	sld [smem:$0x3FAF]  }
0x39: {  	_ = 	snop;
	(pc) =	sbr.ind lr, $3  }
0x3a: {  	_ = 	snop  }
0x3b: {  	_ = 	snop  }
0x3c: {  	p2 =	seq.s32 s10, $0x1;
	s10 =	sld [smem:$0x3FAE]  }
0x3d: {  	_ =	shalt  }
0x3e: {  	_ =	shalt  }
0x3f: {  	_ =	shalt  }
0x40: {  	_ =	shalt  }
0x41: {  	_ =	shalt  }
0x42: {  	_ =	shalt  }
0x43: {  	_ =	shalt  }
0x44: {  	_ =	shalt  }
0x45: {  	_ =	shalt  }
0x46: {  	_ =	shalt  }
0x47: {  	_ =	shalt  }
0x48: {  	_ =	shalt  }
0x49: {  	_ =	shalt  }
0x4a: {  	_ =	shalt  }
0x4b: {  	_ =	shalt  }
0x4c: {  	_ =	shalt  }
0x4d: {  	_ =	shalt  }
0x4e: {  	_ =	shalt  }
0x4f: {  	_ =	shalt  }
0x50: {  	_ =	shalt  }
0x51: {  	_ =	shalt  }
0x52: {  	_ =	shalt  }
0x53: {  	_ =	shalt  }
0x54: {  	_ =	shalt  }
0x55: {  	_ =	shalt  }
0x56: {  	_ =	shalt  }
0x57: {  	_ =	shalt  }
0x58: {  	_ =	shalt  }
0x59: {  	_ =	shalt  }
0x5a: {  	_ =	shalt  }
0x5b: {  	_ =	shalt  }
0x5c: {  	_ =	shalt  }
0x5d: {  	_ =	shalt  }
0x5e: {  	_ =	shalt  }
0x5f: {  	_ =	shalt  }
0x60: {  	_ =	shalt  }
0x61: {  	_ =	shalt  }
0x62: {  	_ =	shalt  }
0x63: {  	_ =	shalt  }
0x64: {  	_ =	shalt  }
0x65: {  	_ =	shalt  }
0x66: {  	_ =	shalt  }
0x67: {  	_ =	shalt  }
0x68: {  	_ =	shalt  }
0x69: {  	_ =	shalt  }
0x6a: {  	_ =	shalt  }
0x6b: {  	_ =	shalt  }
0x6c: {  	_ =	shalt  }
0x6d: {  	_ =	shalt  }
0x6e: {  	_ =	shalt  }
0x6f: {  	_ =	shalt  }
0x70: {  	_ =	shalt  }
0x71: {  	_ =	shalt  }
0x72: {  	_ =	shalt  }
0x73: {  	_ =	shalt  }
0x74: {  	_ =	shalt  }
0x75: {  	_ =	shalt  }
0x76: {  	_ =	shalt  }
0x77: {  	_ =	shalt  }
0x78: {  	_ =	shalt  }
0x79: {  	_ =	shalt  }
0x7a: {  	_ =	shalt  }
0x7b: {  	_ =	shalt  }
0x7c: {  	_ =	shalt  }
0x7d: {  	_ =	shalt  }
0x7e: {  	_ =	shalt  }
0x7f: {  	_ =	shalt  }
0x80: {  	_ =	shalt  }
0x81: {  	_ =	shalt  }
0x82: {  	_ =	shalt  }
0x83: {  	_ =	shalt  }
0x84: {  	_ =	shalt  }
0x85: {  	_ =	shalt  }
0x86: {  	_ =	shalt  }
0x87: {  	_ =	shalt  }
.Lfunc_end0:
.L_simem_size_0:
called_computation.1_lowered:
.L_overlay_start_0:
0x88: {  	s2 =	sld [smem:$0x3FD9]  }
0x89: {  	s3 =	sld [smem:$0x3FFE];
	_ =	sdelay $0x1  }
0x8a: {  	s1 =	srdreg.scid  }
0x8b: {  	s0 =	sand.u32 $0x1, s1  }
0x8c: {  	s16 =	sshll.u32 s0, $0xA;
	s2 =	sadd.s32 s3, s2  }
0x8d: {  	s2 =	sadd.s32 s2, s16  }
0x8e: {  	[smem:$0x3FBA] =	sst s2  }
0x8f: {  	_ = 	snop  }
0x90: {  	(tm) =	ssettm $0x1  }
0x91: {  	s17 =	sld [smem:$0x3FFB];
	_ =	sdelay $0x3  }
0x92: {  	_ =	strace s17  }
0x93: {  	s2 =	sld [smem:$0x3FFC];
	_ =	sdelay $0x3  }
0x94: {  	_ =	strace s2  }
0x95: {  	s2 =	sld [smem:$0x3FFD];
	_ =	sdelay $0x3  }
0x96: {  	_ =	strace s2  }
0x97: {  	_ =	strace $0x8FFFFFFF  }
0x98: {  	s18 =	sld [smem:$0x3FDB];
	_ =	sdelay $0x1  }
0x99: {  	s19 =	simm.s32 $_scs_section_size  }
0x9a: {  	s4 =	simm.s32 $_size__tile_overlayer_lowered;
	s5 =	simm.s32 $_tile_overlayer_lowered  }
0x9b: {  	s22 =	simm.s32 $0x1BFF;
	s21 =	sshll.u32 s5, $0x1;
	s2 =	sadd.s32 s19, s18  }
0x9c: {  	s6 =	simm.s32 $0x0;
	s20 =	sshll.u32 s4, $0x1;
	s4 =	sadd.s32 s21, s2  }
0x9d: {  	[timem:s6], [sflag:s22] =	dma.local [hbm:s4], s20  }
0x9e: {  	_ =	swait.ge [sflag:s22], s20  }
0x9f: {  	s3 =	ssub.s32 $0x0, s20;
	[sflag:s22] =	ssyncset.done $0x0  }
0xa0: {  	[sflag:s22] =	ssyncadd.s32 s3;
	_ =	sdelay $0x1  }
0xa1: {  	s23 =	simm.s32 $0x1B8B  }
0xa2: {  	_ =	swait.ge [sflag:s23], $0x1  }
0xa3: {  	[sflag:s23] =	ssyncset.done $0x0  }
0xa4: {  	s25 =	simm.s32 $0x1B8E;
	s24 =	sld [smem:$0x3FFE];
	[sflag:s23] =	ssyncadd.s32 $0xFFFFFFFF  }
0xa5: {  	s26 =	simm.s32 $execute0_lowered;
	[smem:$0x3FD2] =	sst s25  }
0xa6: {  	s4 =	sshll.u32 s26, $0x1;
	_ =	strace $0x80000049;
	[dreg:$0x1] =	wrdreg $0xFFFFFFFF  }
0xa7: {  	s28 =	simm.s32 $_size_execute0_lowered;
	s2 =	sadd.s32 s2, s4;
	[dreg:$0x0] =	wrdreg $0x0  }
0xa8: {  	s4 =	sshll.u32 s28, $0x1;
	[dreg:$0x2] =	wrdreg s2  }
0xa9: {  	[dreg:$0x3] =	wrdreg s4  }
0xaa: {  	[dreg:$0x4] =	wrdreg $0xC0  }
0xab: {  	_ =	task [dreg:s6], $0x5FFFF  }
0xac: {  	[dreg:$0x1] =	wrdreg $0xFFFFFFFF  }
0xad: {  	[dreg:$0x0] =	wrdreg $0x60  }
0xae: {  	[dreg:$0x2] =	wrdreg s24  }
0xaf: {  	[dreg:$0x3] =	wrdreg $0x9  }
0xb0: {  	_ =	task.clear_ibuf [dreg:s6], $0x4FFFF;
	_ =	strace $0x90000049  }
0xb1: {  	s29 =	simm.s32 $0x9;
	_ =	strace $0x8000004B  }
0xb2: {  	_ =	swait.ge [sflag:s29], $0x1  }
0xb3: {  	[sflag:s29] =	ssyncadd.s32 $0xFFFFFFFF  }
0xb4: {  	_ =	strace $0x9000004B  }
0xb5: {  	_ =	sfence  }
0xb6: {  	s30 =	sld [smem:$0x0];
	_ =	sdelay $0x2  }
0xb7: {  	s31 =	sshll.u32 s1, $0xD;
	s1 =	sshrl.u32 s1, $0x2  }
0xb8: {  	s3 =	sand.u32 $0x4000, s31;
	s1 =	sadd.s32 s1, s30  }
0xb9: {  	s0 =	sor.u32 s3, s0;
	s1 =	sshll.u32 s1, $0x11  }
0xba: {  	s0 =	sor.u32 s1, s0  }
0xbb: {  	s0 =	sadd.s32 $0x8F2B, s0  }
0xbc: {  	[sflag:s0] =	ssyncadd.remote.s32 $0x1  }
0xbd: {  	_ =	sfence.sel $0xFFFF  }
0xbe: {  	[dreg:$0x0] =	wrdreg $0xFFFFFFFF;
	(pc) =	sbr.abs _section_cstart, $3  }
0xbf: {  	[dreg:$0x1] =	wrdreg $0xFFFFFFFF  }
0xc0: {  	_ =	task.clear_ibuf [dreg:s6], $0x2FFFF;
	_ =	strace $0x9FFFFFFF  }
0xc1: {  	(tm) =	ssettm $0x7FFFFFFF  }
tec
execute0_lowered:
.L_overlay_start_1:
0x0: {  	(tag) =	ssettag $0x1  }
0x1: {  	s0 =	rddreg [dreg:$0x0]  }
0x2: {  	s1 =	simm.s32 $0x0;
	s2 =	srdreg.scid;
	s5 =	stileid.u32  }
0x3: {  	s11 =	simm.s32 $0x2;
	s12 =	simm.s32 $0x80;
	s28 =	simm.s32 $0x7880  }
0x4: {  	s29 =	simm.s32 $0x8080;
	s30 =	simm.s32 $0x8880;
	s31 =	simm.s32 $0x9080  }
0x5: {  	s13 =	simm.s32 $0xB080;
	s14 =	simm.s32 $0xB880;
	s15 =	simm.s32 $0xC080  }
0x6: {  	s16 =	simm.s32 $0xC880;
	s17 =	simm.s32 $0xD080;
	s18 =	simm.s32 $0xD880  }
0x7: {  	s19 =	simm.s32 $0xE080;
	s20 =	simm.s32 $0xE880;
	s21 =	simm.s32 $0xF080  }
0x8: {  	s22 =	simm.s32 $0xF880;
	s23 =	simm.s32 $0x1;
	s25 =	simm.s32 $0x0  }
0x9: {  	[smem:$0x7FF] =	sst s1;
	s3 =	sadd.s32 $0xC9C00, s0;
	s2 =	sand.u32 $0x1, s2  }
0xa: {  	s4 =	sadd.s32 $0xC9A00, s0;
	s8 =	sshll.u32 s5, $0x8;
	s6 =	ssub.s32 $0x2, s2  }
0xb: {  	s5 =	sadd.s32 $0x9600, s0;
	s9 =	sadd.s32 $0xC9F00, s0;
	s7 =	sshrl.u32 s6, $0x1  }
0xc: {  	_ =	strace $0x8000004A;
	s2 =	sshll.u32 s2, $0x7;
	s10 =	ssub.s32 s6, s7  }
0xd: {  	v2 =	vlaneseq.u32;
	s6 =	sor.u32 s2, s8;
	s7 =	sadd.s32 $0xC9D00, s0;
	s8 =	sadd.s32 $0xC9E00, s0  }
0xe: {  	vm0 =	vmmov $0xffff;
	v1 =	vshrl.u32 v2, $0x3;
	s0 =	simm.s32 $0x9880;
	s2 =	simm.s32 $0xA080;
	s26 =	smax.u32 s10, $0x1  }
0xf: {  	v0 =	vand.u32 $0x7, v2;
	v2 =	vor.u32 $0x8, v2;
	v1 =	vmul.u32 $0x8, v1;
	s10 =	simm.s32 $0xA880;
	[dreg:$0x2] =	wrdreg s26;
	s26 =	simm.s32 $0x7080  }
.LBB2_1:
0x10: {  	[dreg:$0x3] =	wrdreg s25;
	p0 =	por $0x1, $0x1;
	s24 =	simm.s32 $0x0  }
.LBB2_2:
0x11: {  	s24 =	sor.u32 s6, s24  }
0x12: {  	s25 =	sshrl.u32 s24, $0x3  }
0x13: {  	s25 =	sadd.s32 s4, s25  }
0x14: {  	[tilespmem:s1], [sflag:$0x2] =	stream.linear.gather [hbm4b:s25+s1], $0x40, $0x38;
	[tilespmem:$0x10080] =	vst v63  }
0x15: {  	_ =	swait.ge [sflag:s11], $0x40  }
0x16: {  	[sflag:s11] =	ssyncset.done $0x0  }
0x17: {  	[sflag:s11] =	ssyncadd.s32 $0xFFFFFFC0  }
0x18: {  	v3 =	vld [tilespmem:$0x0];
	_ =	sdelay $0x4  }
0x19: {  	v4 =	vshll.u32 v3, $0x3  }
0x1a: {  	v3 =	vand.u32 $0x7, v3;
	v4 =	vand.u32 $0xFFFFFFC0, v4  }
0x1b: {  	v3 =	vor.u32 v3, v4  }
0x1c: {  	v4 =	vperm.xlane v3, v0;
	_ =	sdelay $0x1  }
0x1d: {  	v4 =	vadd.s32 v1, v4;
	_ =	sdelay $0x4  }
0x1e: {  	[tilespmem:s12], [sflag:$0x1] =	stream.indirect_vreg.gather [hbm4b:s3+s1], $0x80, v4, vm0, $0xb8;
	[tilespmem:$0x10080] =	vst v63  }
0x1f: {  	s25 =	simm.s32 $0x880;
	v3 =	vperm.xlane v3, v2  }
0x20: {  	[tilespmem:s25], [sflag:$0x1] =	stream.indirect_vreg.gather [hbm4b:s7+s1], $0x80, v4, vm0, $0xb8;
	[tilespmem:$0x10080] =	vst v63  }
0x21: {  	v3 =	vadd.s32 v1, v3;
	s25 =	simm.s32 $0x1080  }
0x22: {  	[tilespmem:s25], [sflag:$0x1] =	stream.indirect_vreg.gather [hbm4b:s8+s1], $0x80, v4, vm0, $0xb8;
	[tilespmem:$0x10080] =	vst v63  }
0x23: {  	s25 =	simm.s32 $0x1880  }
0x24: {  	[tilespmem:s25], [sflag:$0x1] =	stream.indirect_vreg.gather [hbm4b:s9+s1], $0x80, v4, vm0, $0xb8;
	[tilespmem:$0x10080] =	vst v63  }
0x25: {  	s25 =	simm.s32 $0x2080  }
0x26: {  	[tilespmem:s25], [sflag:$0x1] =	stream.indirect_vreg.gather [hbm4b:s3+s1], $0x80, v3, vm0, $0xb8;
	[tilespmem:$0x10080] =	vst v63  }
0x27: {  	s25 =	simm.s32 $0x2880  }
0x28: {  	[tilespmem:s25], [sflag:$0x1] =	stream.indirect_vreg.gather [hbm4b:s7+s1], $0x80, v3, vm0, $0xb8;
	[tilespmem:$0x10080] =	vst v63  }
0x29: {  	s25 =	simm.s32 $0x3080  }
0x2a: {  	[tilespmem:s25], [sflag:$0x1] =	stream.indirect_vreg.gather [hbm4b:s8+s1], $0x80, v3, vm0, $0xb8;
	[tilespmem:$0x10080] =	vst v63  }
0x2b: {  	s25 =	simm.s32 $0x3880  }
0x2c: {  	[tilespmem:s25], [sflag:$0x1] =	stream.indirect_vreg.gather [hbm4b:s9+s1], $0x80, v3, vm0, $0xb8;
	[tilespmem:$0x10080] =	vst v63  }
0x2d: {  	v3 =	vld [tilespmem:$0x10];
	_ =	sdelay $0x4  }
0x2e: {  	v61 =	vshll.u32 v3, $0x3  }
0x2f: {  	v3 =	vand.u32 $0x7, v3;
	v4 =	vand.u32 $0xFFFFFFC0, v61  }
0x30: {  	v3 =	vor.u32 v3, v4  }
0x31: {  	v4 =	vperm.xlane v3, v0;
	_ =	sdelay $0x1  }
0x32: {  	v4 =	vadd.s32 v1, v4;
	_ =	sdelay $0x3  }
0x33: {  	s25 =	simm.s32 $0x4080  }
0x34: {  	[tilespmem:s25], [sflag:$0x1] =	stream.indirect_vreg.gather [hbm4b:s3+s1], $0x80, v4, vm0, $0xb8;
	[tilespmem:$0x10080] =	vst v63  }
0x35: {  	v3 =	vperm.xlane v3, v2;
	s25 =	simm.s32 $0x4880  }
0x36: {  	[tilespmem:s25], [sflag:$0x1] =	stream.indirect_vreg.gather [hbm4b:s7+s1], $0x80, v4, vm0, $0xb8;
	[tilespmem:$0x10080] =	vst v63  }
0x37: {  	v3 =	vadd.s32 v1, v3;
	s25 =	simm.s32 $0x5080  }
0x38: {  	[tilespmem:s25], [sflag:$0x1] =	stream.indirect_vreg.gather [hbm4b:s8+s1], $0x80, v4, vm0, $0xb8;
	[tilespmem:$0x10080] =	vst v63  }
0x39: {  	s25 =	simm.s32 $0x5880  }
0x3a: {  	[tilespmem:s25], [sflag:$0x1] =	stream.indirect_vreg.gather [hbm4b:s9+s1], $0x80, v4, vm0, $0xb8;
	[tilespmem:$0x10080] =	vst v63  }
0x3b: {  	s25 =	simm.s32 $0x6080  }
0x3c: {  	[tilespmem:s25], [sflag:$0x1] =	stream.indirect_vreg.gather [hbm4b:s3+s1], $0x80, v3, vm0, $0xb8;
	[tilespmem:$0x10080] =	vst v63  }
0x3d: {  	s25 =	simm.s32 $0x6880  }
0x3e: {  	[tilespmem:s25], [sflag:$0x1] =	stream.indirect_vreg.gather [hbm4b:s7+s1], $0x80, v3, vm0, $0xb8;
	[tilespmem:$0x10080] =	vst v63  }
0x3f: {  	_ = 	snop  }
0x40: {  	[tilespmem:s26], [sflag:$0x1] =	stream.indirect_vreg.gather [hbm4b:s8+s1], $0x80, v3, vm0, $0xb8;
	[tilespmem:$0x10080] =	vst v63  }
0x41: {  	_ = 	snop  }
0x42: {  	[tilespmem:s28], [sflag:$0x1] =	stream.indirect_vreg.gather [hbm4b:s9+s1], $0x80, v3, vm0, $0xb8;
	[tilespmem:$0x10080] =	vst v63  }
0x43: {  	v3 =	vld [tilespmem:$0x20];
	_ =	sdelay $0x4  }
0x44: {  	v62 =	vshll.u32 v3, $0x3  }
0x45: {  	v3 =	vand.u32 $0x7, v3;
	v4 =	vand.u32 $0xFFFFFFC0, v62  }
0x46: {  	v3 =	vor.u32 v3, v4  }
0x47: {  	v4 =	vperm.xlane v3, v0;
	_ =	sdelay $0x1  }
0x48: {  	v4 =	vadd.s32 v1, v4;
	_ =	sdelay $0x4  }
0x49: {  	[tilespmem:s29], [sflag:$0x1] =	stream.indirect_vreg.gather [hbm4b:s3+s1], $0x80, v4, vm0, $0xb8;
	[tilespmem:$0x10080] =	vst v63  }
0x4a: {  	v3 =	vperm.xlane v3, v2  }
0x4b: {  	[tilespmem:s30], [sflag:$0x1] =	stream.indirect_vreg.gather [hbm4b:s7+s1], $0x80, v4, vm0, $0xb8;
	[tilespmem:$0x10080] =	vst v63  }
0x4c: {  	v3 =	vadd.s32 v1, v3  }
0x4d: {  	[tilespmem:s31], [sflag:$0x1] =	stream.indirect_vreg.gather [hbm4b:s8+s1], $0x80, v4, vm0, $0xb8;
	[tilespmem:$0x10080] =	vst v63  }
0x4e: {  	_ = 	snop  }
0x4f: {  	[tilespmem:s0], [sflag:$0x1] =	stream.indirect_vreg.gather [hbm4b:s9+s1], $0x80, v4, vm0, $0xb8;
	[tilespmem:$0x10080] =	vst v63  }
0x50: {  	_ = 	snop  }
0x51: {  	[tilespmem:s2], [sflag:$0x1] =	stream.indirect_vreg.gather [hbm4b:s3+s1], $0x80, v3, vm0, $0xb8;
	[tilespmem:$0x10080] =	vst v63  }
0x52: {  	_ = 	snop  }
0x53: {  	[tilespmem:s10], [sflag:$0x1] =	stream.indirect_vreg.gather [hbm4b:s7+s1], $0x80, v3, vm0, $0xb8;
	[tilespmem:$0x10080] =	vst v63  }
0x54: {  	_ = 	snop  }
0x55: {  	[tilespmem:s13], [sflag:$0x1] =	stream.indirect_vreg.gather [hbm4b:s8+s1], $0x80, v3, vm0, $0xb8;
	[tilespmem:$0x10080] =	vst v63  }
0x56: {  	_ = 	snop  }
0x57: {  	[tilespmem:s14], [sflag:$0x1] =	stream.indirect_vreg.gather [hbm4b:s9+s1], $0x80, v3, vm0, $0xb8;
	[tilespmem:$0x10080] =	vst v63  }
0x58: {  	v3 =	vld [tilespmem:$0x30];
	_ =	sdelay $0x4  }
0x59: {  	v63 =	vshll.u32 v3, $0x3  }
0x5a: {  	v3 =	vand.u32 $0x7, v3;
	v4 =	vand.u32 $0xFFFFFFC0, v63  }
0x5b: {  	v3 =	vor.u32 v3, v4  }
0x5c: {  	v4 =	vperm.xlane v3, v0;
	_ =	sdelay $0x1  }
0x5d: {  	v4 =	vadd.s32 v1, v4;
	_ =	sdelay $0x4  }
0x5e: {  	[tilespmem:s15], [sflag:$0x1] =	stream.indirect_vreg.gather [hbm4b:s3+s1], $0x80, v4, vm0, $0xb8;
	[tilespmem:$0x10080] =	vst v63  }
0x5f: {  	v3 =	vperm.xlane v3, v2  }
0x60: {  	[tilespmem:s16], [sflag:$0x1] =	stream.indirect_vreg.gather [hbm4b:s7+s1], $0x80, v4, vm0, $0xb8;
	[tilespmem:$0x10080] =	vst v63  }
0x61: {  	v3 =	vadd.s32 v1, v3  }
0x62: {  	[tilespmem:s17], [sflag:$0x1] =	stream.indirect_vreg.gather [hbm4b:s8+s1], $0x80, v4, vm0, $0xb8;
	[tilespmem:$0x10080] =	vst v63  }
0x63: {  	_ = 	snop  }
0x64: {  	[tilespmem:s18], [sflag:$0x1] =	stream.indirect_vreg.gather [hbm4b:s9+s1], $0x80, v4, vm0, $0xb8;
	[tilespmem:$0x10080] =	vst v63  }
0x65: {  	_ = 	snop  }
0x66: {  	[tilespmem:s19], [sflag:$0x1] =	stream.indirect_vreg.gather [hbm4b:s3+s1], $0x80, v3, vm0, $0xb8;
	[tilespmem:$0x10080] =	vst v63  }
0x67: {  	_ = 	snop  }
0x68: {  	[tilespmem:s20], [sflag:$0x1] =	stream.indirect_vreg.gather [hbm4b:s7+s1], $0x80, v3, vm0, $0xb8;
	[tilespmem:$0x10080] =	vst v63  }
0x69: {  	_ = 	snop  }
0x6a: {  	[tilespmem:s21], [sflag:$0x1] =	stream.indirect_vreg.gather [hbm4b:s8+s1], $0x80, v3, vm0, $0xb8;
	[tilespmem:$0x10080] =	vst v63  }
0x6b: {  	_ = 	snop  }
0x6c: {  	[tilespmem:s22], [sflag:$0x1] =	stream.indirect_vreg.gather [hbm4b:s9+s1], $0x80, v3, vm0, $0xb8;
	[tilespmem:$0x10080] =	vst v63  }
0x6d: {  	_ =	swait.ge [sflag:s23], $0x10000  }
0x6e: {  	p1 =	por p0, p0;
	s24 =	sshll.u32 s24, $0x7;
	[sflag:s23] =	ssyncset.done $0x0  }
.Ltmp0:
0x6f: {  	s24 =	sadd.s32 s5, s24;
	[sflag:s23] =	ssyncadd.s32 $0xFFFF0000;
	(pc) =	sbr.rel @p1 .LBB2_2-.Ltmp0, $4  }
0x70: {  	[hbm4b:s24+s1] =	stream.linear.scatter [tilespmem:s12], [sflag:$0x2], $0x10000, $0x38;
	[tilespmem:$0x10080] =	vst v63  }
0x71: {  	_ =	swait.ge [sflag:s11], $0x10000  }
0x72: {  	[sflag:s11] =	ssyncset.done $0x0  }
0x73: {  	p0 =	por $0x0, $0x0;
	s24 =	simm.s32 $0x40;
	[sflag:s11] =	ssyncadd.s32 $0xFFFF0000  }
0x74: {  	s25 =	rddreg [dreg:$0x3]  }
0x75: {  	s24 =	rddreg [dreg:$0x2];
	s25 =	sadd.s32 $0x1, s25  }
0x76: {  	p0 =	sne.s32 s25, s24  }
.Ltmp1:
0x77: {  	_ = 	snop;
	(pc) =	sbr.rel @p0 .LBB2_1-.Ltmp1, $1  }
0x78: {  	_ =	sdelay $0x3  }
0x79: {  	_ =	sfence.sel $0x180000  }
0x7a: {  	[bflag:$0x0] =	sbarrier.arrive $0xFFFF  }
0x7b: {  	_ =	strace $0x9000004A  }
0x7c: {  	s0 =	stileid.u32;
	[bflag:$0x2] =	sbarrier.arrive $0xFFFF  }
0x7d: {  	p0 =	sne.s32 s0, $0x0;
	s0 =	rddreg [dreg:$0x1]  }
0x7e: {  	s0 =	sadd.s32 @!p0 $0x100000, s0  }
0x7f: {  	[sflag:s0] =	ssyncadd.tile.s32 @!p0 $0x1;
	_ =	shalt  }
.Lfunc_end2:
_tile_overlayer_lowered:
.L_overlay_start_2:
0x80: {  	(tag) =	ssettag $0x2  }
0x81: {  	s0 =	rddreg [dreg:$0x0];
	s2 =	stileid.u32  }
0x82: {  	s1 =	rddreg [dreg:$0x1];
	p0 =	sne.s32 s2, $0x0  }
0x83: {  	s3 =	rddreg [dreg:$0x2];
	[bflag:$0x3] =	sbarrier.arrive $0xFFFF;
	s2 =	simm.s32 @!p0 $0x1C02  }
0x84: {  	[timem:s3], [sflag:s2] =	dma.local @!p0 [hbm:s0], s1  }
0x85: {  	s0 =	simm.s32 @!p0 $0x2  }
0x86: {  	_ =	swait.ge @!p0 [sflag:s0], s1  }
0x87: {  	s1 =	ssub.s32 @!p0 $0x0, s1;
	[sflag:s0] =	ssyncset.done @!p0 $0x0  }
0x88: {  	[sflag:s0] =	ssyncadd.s32 @!p0 s1  }
0x89: {  	[bflag:$0x3] =	sbarrier.arrive $0xFFFF  }
0x8a: {  	_ =	shalt  }

</sc_bundles>
